<compile_context>
chip_gen: v7x
topology: tpu7x:2x2x1
jax: 0.10.2.dev20260603
libtpu: 0.0.44.dev20260713+nightly
codegen_flags: <defaults>
</compile_context>

<pallas_src>
import functools

import jax
import jax.numpy as jnp
from jax import lax
from jax.experimental import pallas as pl
from jax.experimental.pallas import tpu as pltpu
from jax.experimental.pallas import tpu_sc as plsc

_N = 10000
_E = 320000
_G = 32
_NCLS = 2

_NTILES = 16
_NCORES = 2
_NW = _NTILES * _NCORES
_E_PAD = 327680


def _chunk_for(w):
    return 256
_N_PAD = 10240
_RPT = _N_PAD // _NTILES


@functools.lru_cache(maxsize=None)
def _make_agg(w):
    mesh = plsc.VectorSubcoreMesh(core_axis_name="c", subcore_axis_name="s")
    _CHUNK = _chunk_for(w)
    _CPW = _E_PAD // (_NW * _CHUNK)

    @functools.partial(
        pl.kernel,
        mesh=mesh,
        compiler_params=pltpu.CompilerParams(use_tc_tiling_on_sc=False),
        out_type=jax.ShapeDtypeStruct((_NCORES, _N_PAD, w), jnp.float32),
        scratch_types=[
            pltpu.VMEM((_CPW, _CHUNK), jnp.int32),
            pltpu.VMEM((_CPW, _CHUNK), jnp.int32),
            pltpu.VMEM((_CHUNK, w), jnp.float32),
            pltpu.VMEM((_CHUNK, w), jnp.float32),
            pltpu.VMEM_SHARED((_N_PAD, w), jnp.float32),
            pltpu.SemaphoreType.DMA,
            pltpu.SemaphoreType.DMA,
            pltpu.SemaphoreType.DMA,
            pltpu.SemaphoreType.DMA,
        ],
    )
    def agg(table_hbm, edges_hbm, zeros_hbm, out_hbm,
            src_v, dst_v, rows_a, rows_b, acc_sh,
            ga, gb, sa, sb):
        c = lax.axis_index("c")
        s = lax.axis_index("s")
        wid = c * _NTILES + s
        pltpu.sync_copy(zeros_hbm, acc_sh.at[pl.ds(s * _RPT, _RPT)])
        pltpu.sync_copy(edges_hbm.at[0].at[pl.ds(wid * _CPW, _CPW)], src_v)
        pltpu.sync_copy(edges_hbm.at[1].at[pl.ds(wid * _CPW, _CPW)], dst_v)
        plsc.subcore_barrier()

        def gather(j, buf, sem):
            pltpu.async_copy(table_hbm.at[src_v.at[j]], buf, sem)

        def gather_wait(buf, sem):
            pltpu.make_async_copy(table_hbm.at[src_v.at[0]], buf, sem).wait()

        def scat_wait(buf, sem):
            pltpu.make_async_copy(buf, acc_sh.at[dst_v.at[0]], sem).wait()

        gather(0, rows_a, ga)
        gather(1, rows_b, gb)

        def body(k, carry):
            j0 = 2 * k
            gather_wait(rows_a, ga)
            pltpu.async_copy(rows_a, acc_sh.at[dst_v.at[j0]], sa, add=True)
            gather_wait(rows_b, gb)
            pltpu.async_copy(rows_b, acc_sh.at[dst_v.at[j0 + 1]], sb, add=True)
            scat_wait(rows_a, sa)
            gather(jnp.minimum(j0 + 2, _CPW - 2), rows_a, ga)
            scat_wait(rows_b, sb)
            gather(jnp.minimum(j0 + 3, _CPW - 1), rows_b, gb)
            return carry

        lax.fori_loop(0, _CPW // 2, body, 0)
        gather_wait(rows_a, ga)
        gather_wait(rows_b, gb)
        plsc.subcore_barrier()
        pltpu.sync_copy(acc_sh.at[pl.ds(s * _RPT, _RPT)],
                        out_hbm.at[c].at[pl.ds(s * _RPT, _RPT)])

    return agg


def _lrelu(v):
    return jnp.where(v >= 0, v, 0.01 * v)


def _dot(a, b):
    return jnp.dot(a, b, preferred_element_type=jnp.float32)


def _tc_matmul(x, W):
    fout = W.shape[1]

    def body(x_ref, w_ref, o_ref):
        o_ref[...] = _dot(x_ref[...], w_ref[...])

    return pl.pallas_call(
        body,
        out_shape=jax.ShapeDtypeStruct((_N_PAD, fout), jnp.float32),
    )(x, W)


def _tc_bias_lrelu_mm(P, b, W):
    fout = W.shape[1]

    def body(p_ref, b_ref, w_ref, o_ref):
        h = _lrelu(p_ref[0] + p_ref[1] + b_ref[...])
        o_ref[...] = _dot(h, w_ref[...])

    return pl.pallas_call(
        body,
        out_shape=jax.ShapeDtypeStruct((_N_PAD, fout), jnp.float32),
    )(P, b.reshape(1, -1), W)


def _tc_head(P, b4, gamma, beta, batch_pad):
    def body(p_ref, b_ref, g_ref, be_ref, batch_ref,
             f1w_ref, f1b_ref, f2w_ref, f2b_ref, f3w_ref, f3b_ref, o_ref):
        h = p_ref[0] + p_ref[1] + b_ref[...]
        rows = lax.broadcasted_iota(jnp.int32, (_N_PAD, 1), 0)
        mask = (rows < _N).astype(jnp.float32)
        hm = h * mask
        s1 = jnp.sum(hm, axis=0, keepdims=True)
        mean = s1 / _N
        diff = (h - mean) * mask
        var = jnp.sum(diff * diff, axis=0, keepdims=True) / _N
        hn = (h - mean) / jnp.sqrt(var + 1e-5) * g_ref[...] + be_ref[...]
        hn = _lrelu(hn)
        gids = lax.broadcasted_iota(jnp.int32, (1, _G), 1)
        onehot = (batch_ref[...] == gids).astype(jnp.float32)
        pooled = lax.dot_general(onehot, hn, (((0,), (0,)), ((), ())),
                                 preferred_element_type=jnp.float32,
                                 precision=lax.Precision.HIGHEST)
        o = _lrelu(_dot(pooled, f1w_ref[...]) + f1b_ref[...])
        o = _lrelu(_dot(o, f2w_ref[...]) + f2b_ref[...])
        o = _dot(o, f3w_ref[...]) + f3b_ref[...]
        m = jnp.max(o, axis=-1, keepdims=True)
        lse = m + jnp.log(jnp.sum(jnp.exp(o - m), axis=-1, keepdims=True))
        o_ref[...] = o - lse

    return pl.pallas_call(
        body,
        out_shape=jax.ShapeDtypeStruct((_G, _NCLS), jnp.float32),
    )


def kernel(x, edge_index, batch, W1, b1, W2, b2, W3, b3, W4, b4,
           bn_gamma, bn_beta, fc1_W, fc1_b, fc2_W, fc2_b, fc3_W, fc3_b):
    pad_e = _E_PAD - _E
    pad_ids = jnp.arange(pad_e, dtype=jnp.int32)
    src = jnp.concatenate([edge_index[0], (pad_ids * 37) % _N])
    dst = jnp.concatenate([edge_index[1], _N + (pad_ids % (_N_PAD - _N))])
    eflat = jnp.stack([src, dst])

    def eview(w):
        ch = _chunk_for(w)
        return eflat.reshape(2, _E_PAD // ch, ch)
    x_pad = jnp.pad(x, ((0, _N_PAD - _N), (0, 0)))
    batch_pad = jnp.concatenate(
        [batch, jnp.full((_N_PAD - _N,), _G, jnp.int32)]).reshape(_N_PAD, 1)
    zeros = {w: jnp.zeros((_RPT, w), jnp.float32) for w in (16, 32, 64)}
    W4p = jnp.pad(W4, ((0, 0), (0, 14)))
    b4p = jnp.pad(b4, (0, 14))
    gammap = jnp.pad(bn_gamma, (0, 14))
    betap = jnp.pad(bn_beta, (0, 14))
    fc1_Wp = jnp.pad(fc1_W, ((0, 14), (0, 0)))

    m1 = _tc_matmul(x_pad, W1)
    P = _make_agg(16)(m1, eview(16), zeros[16])
    m2 = _tc_bias_lrelu_mm(P, b1, W2)
    P = _make_agg(32)(m2, eview(32), zeros[32])
    m3 = _tc_bias_lrelu_mm(P, b2, W3)
    P = _make_agg(64)(m3, eview(64), zeros[64])
    m4 = _tc_bias_lrelu_mm(P, b3, W4p)
    P = _make_agg(64)(m4, eview(64), zeros[64])
    out = _tc_head(P, b4p, gammap, betap, batch_pad)(
        P, b4p.reshape(1, -1), gammap.reshape(1, -1),
        betap.reshape(1, -1), batch_pad,
        fc1_Wp, fc1_b.reshape(1, -1), fc2_W, fc2_b.reshape(1, -1),
        fc3_W, fc3_b.reshape(1, -1))
    return out

# --- scband reference (transcript-rebuilt; emitter-appended) ---
"""Pipeline reference for scband-eeggraph-conv-net-deep-61409442398714 (READ-ONLY COPY).

The authoritative reference and input builder live on the scoring server;
editing this copy changes nothing except your own understanding.
"""

import jax, jax.numpy as jnp
import numpy as np

N = 10000
E = 320000
F_IN = 128
G = 32
C = 2


def setup_inputs(seed: int = 0) -> dict:
    key = jax.random.key(seed)
    ks = jax.random.split(key, 20)
    x = jax.random.normal(ks[0], (N, F_IN), dtype=jnp.float32)
    edge_index = jax.random.randint(ks[1], (2, E), 0, N, dtype=jnp.int32)
    batch = jnp.sort(jax.random.randint(ks[2], (N,), 0, G, dtype=jnp.int32))
    def glorot(k, shape):
        lim = np.sqrt(6.0 / (shape[0] + shape[1]))
        return jax.random.uniform(k, shape, jnp.float32, -lim, lim)
    return {
        "x": x,
        "edge_index": edge_index,
        "batch": batch,
        "W1": glorot(ks[3], (F_IN, 16)), "b1": jnp.zeros((16,), jnp.float32),
        "W2": glorot(ks[4], (16, 32)), "b2": jnp.zeros((32,), jnp.float32),
        "W3": glorot(ks[5], (32, 64)), "b3": jnp.zeros((64,), jnp.float32),
        "W4": glorot(ks[6], (64, 50)), "b4": jnp.zeros((50,), jnp.float32),
        "bn_gamma": jnp.ones((50,), jnp.float32), "bn_beta": jnp.zeros((50,), jnp.float32),
        "fc1_W": glorot(ks[7], (50, 30)), "fc1_b": jnp.zeros((30,), jnp.float32),
        "fc2_W": glorot(ks[8], (30, 20)), "fc2_b": jnp.zeros((20,), jnp.float32),
        "fc3_W": glorot(ks[9], (20, C)), "fc3_b": jnp.zeros((C,), jnp.float32),
    }


def reference(x, edge_index, batch, W1, b1, W2, b2, W3, b3, W4, b4,
              bn_gamma, bn_beta, fc1_W, fc1_b, fc2_W, fc2_b, fc3_W, fc3_b):
    src = edge_index[0]
    dst = edge_index[1]

    def gcn(h, W, b):
        # GCNConv with normalize=False: linear transform, then sum-aggregate
        # messages x_j from src to dst (no gcn_norm, no self-loops), plus bias.
        m = h @ W
        agg = jax.ops.segment_sum(m[src], dst, num_segments=N)
        return agg + b

    def lrelu(v, slope=0.01):
        return jnp.where(v >= 0, v, slope * v)

    h = lrelu(gcn(x, W1, b1))
    h = lrelu(gcn(h, W2, b2))
    h = lrelu(gcn(h, W3, b3))
    h = gcn(h, W4, b4)
    # BatchNorm over node dim (training-mode batch stats)
    mean = jnp.mean(h, axis=0)
    var = jnp.var(h, axis=0)
    h = (h - mean) / jnp.sqrt(var + 1e-5) * bn_gamma + bn_beta
    h = lrelu(h)
    # global_add_pool
    pooled = jax.ops.segment_sum(h, batch, num_segments=G)
    o = lrelu(pooled @ fc1_W + fc1_b)
    # dropout p=0.2 skipped (eval mode / training=False)
    o = lrelu(o @ fc2_W + fc2_b)
    o = o @ fc3_W + fc3_b
    return jax.nn.log_softmax(o, axis=-1)

if __name__ == "__main__":
    import jax
    _d = setup_inputs()
    print(jax.jit(kernel)(*tuple(_d.values())))

</pallas_src>

<mosaic_0001>
#map = affine_map<(d0, d1) -> (0, 0)>
#map1 = affine_map<(d0, d1) -> (0, 0, 0)>
module attributes {stable_mosaic.version = 14 : i64} {
  func.func @agg(%arg0: i32, %arg1: i32, %arg2: memref<10240x16xf32, #tpu.memory_space<hbm>>, %arg3: memref<2x1280x256xi32, #tpu.memory_space<hbm>>, %arg4: memref<640x16xf32, #tpu.memory_space<hbm>>, %arg5: memref<2x10240x16xf32, #tpu.memory_space<hbm>>, %arg6: memref<40x256xi32, #tpu.memory_space<vmem>>, %arg7: memref<40x256xi32, #tpu.memory_space<vmem>>, %arg8: memref<256x16xf32, #tpu.memory_space<vmem>>, %arg9: memref<256x16xf32, #tpu.memory_space<vmem>>, %arg10: memref<10240x16xf32, #tpu.memory_space<vmem_shared>>, %arg11: memref<!tpu.dma_semaphore, #tpu.memory_space<semaphore_mem>>, %arg12: memref<!tpu.dma_semaphore, #tpu.memory_space<semaphore_mem>>, %arg13: memref<!tpu.dma_semaphore, #tpu.memory_space<semaphore_mem>>, %arg14: memref<!tpu.dma_semaphore, #tpu.memory_space<semaphore_mem>>) attributes {dimension_semantics = [#tpu.dimension_semantics<core_parallel>, #tpu.dimension_semantics<subcore_parallel>], iteration_bounds = array<i64: 2, 16>, scalar_prefetch = 0 : i64, scratch_operands = 9 : i64, tpu.core_type = #tpu.core_type<sc_vector_subcore>, window_params = [{transform_indices = #map}, {transform_indices = #map1}, {transform_indices = #map}, {transform_indices = #map1}]} {
    %mul3A = arith.constant 16 : i32
    %mul3A_0 = arith.muli %arg0, %mul3A : i32
    %add3A = arith.addi %mul3A_0, %arg1 : i32
    %mul3A_1 = arith.constant 640 : i32
    %mul3A_2 = arith.muli %arg1, %mul3A_1 : i32
    "tpu.region"() ({
      %run_scoped3A_44 = tpu.sem_alloc : memref<!tpu.dma_semaphore, #tpu.memory_space<semaphore_mem>>
      %dma_start3A_45 = arith.constant 0 : i32
      %dma_start3A_46 = tpu.memref_slice %arg10[%mul3A_2, %dma_start3A_45] : memref<10240x16xf32, #tpu.memory_space<vmem_shared>> -> memref<640x16xf32, #tpu.memory_space<vmem_shared>>
      tpu.enqueue_dma source(%arg4 : memref<640x16xf32, #tpu.memory_space<hbm>>) target(%dma_start3A_46 : memref<640x16xf32, #tpu.memory_space<vmem_shared>>) target_semaphore(%run_scoped3A_44 : memref<!tpu.dma_semaphore, #tpu.memory_space<semaphore_mem>>)
      %dma_wait3A_47 = arith.constant 0 : i32
      %dma_wait3A_48 = tpu.memref_slice %arg10[%mul3A_2, %dma_wait3A_47] : memref<10240x16xf32, #tpu.memory_space<vmem_shared>> -> memref<640x16xf32, #tpu.memory_space<vmem_shared>>
      tpu.wait_dma2 semaphore(%run_scoped3A_44 : memref<!tpu.dma_semaphore, #tpu.memory_space<semaphore_mem>>) src(%arg4 : memref<640x16xf32, #tpu.memory_space<hbm>>) dst(%dma_wait3A_48 : memref<640x16xf32, #tpu.memory_space<vmem_shared>>)
      tpu.yield
    }) : () -> ()
    %mul3A_3 = arith.constant 40 : i32
    %mul3A_4 = arith.muli %add3A, %mul3A_3 : i32
    %run_scoped3A = arith.constant 0 : i32
    "tpu.region"() ({
      %run_scoped3A_44 = tpu.sem_alloc : memref<!tpu.dma_semaphore, #tpu.memory_space<semaphore_mem>>
      %dma_start3A_45 = arith.constant 0 : i32
      %dma_start3A_46 = arith.constant 0 : i32
      %dma_start3A_47 = tpu.memref_slice %arg3[%run_scoped3A, %dma_start3A_45, %dma_start3A_46] : memref<2x1280x256xi32, #tpu.memory_space<hbm>> -> memref<1x1280x256xi32, #tpu.memory_space<hbm>>
      %dma_start3A_48 = tpu.memref_squeeze %dma_start3A_47 : memref<1x1280x256xi32, #tpu.memory_space<hbm>> -> memref<1280x256xi32, #tpu.memory_space<hbm>>
      %dma_start3A_49 = arith.constant 0 : i32
      %dma_start3A_50 = tpu.memref_slice %dma_start3A_48[%mul3A_4, %dma_start3A_49] : memref<1280x256xi32, #tpu.memory_space<hbm>> -> memref<40x256xi32, #tpu.memory_space<hbm>>
      %dma_start3A_51 = arith.constant 0 : i32
      %dma_start3A_52 = arith.constant 0 : i32
      %dma_start3A_53 = tpu.memref_slice %arg3[%run_scoped3A, %dma_start3A_51, %dma_start3A_52] : memref<2x1280x256xi32, #tpu.memory_space<hbm>> -> memref<1x1280x256xi32, #tpu.memory_space<hbm>>
      %dma_start3A_54 = tpu.memref_squeeze %dma_start3A_53 : memref<1x1280x256xi32, #tpu.memory_space<hbm>> -> memref<1280x256xi32, #tpu.memory_space<hbm>>
      %dma_start3A_55 = arith.constant 0 : i32
      %dma_start3A_56 = tpu.memref_slice %dma_start3A_54[%mul3A_4, %dma_start3A_55] : memref<1280x256xi32, #tpu.memory_space<hbm>> -> memref<40x256xi32, #tpu.memory_space<hbm>>
      tpu.enqueue_dma source(%dma_start3A_56 : memref<40x256xi32, #tpu.memory_space<hbm>>) target(%arg6 : memref<40x256xi32, #tpu.memory_space<vmem>>) target_semaphore(%run_scoped3A_44 : memref<!tpu.dma_semaphore, #tpu.memory_space<semaphore_mem>>)
      %dma_wait3A_57 = arith.constant 0 : i32
      %dma_wait3A_58 = arith.constant 0 : i32
      %dma_wait3A_59 = tpu.memref_slice %arg3[%run_scoped3A, %dma_wait3A_57, %dma_wait3A_58] : memref<2x1280x256xi32, #tpu.memory_space<hbm>> -> memref<1x1280x256xi32, #tpu.memory_space<hbm>>
      %dma_wait3A_60 = tpu.memref_squeeze %dma_wait3A_59 : memref<1x1280x256xi32, #tpu.memory_space<hbm>> -> memref<1280x256xi32, #tpu.memory_space<hbm>>
      %dma_wait3A_61 = arith.constant 0 : i32
      %dma_wait3A_62 = tpu.memref_slice %dma_wait3A_60[%mul3A_4, %dma_wait3A_61] : memref<1280x256xi32, #tpu.memory_space<hbm>> -> memref<40x256xi32, #tpu.memory_space<hbm>>
      %dma_wait3A_63 = arith.constant 0 : i32
      %dma_wait3A_64 = arith.constant 0 : i32
      %dma_wait3A_65 = tpu.memref_slice %arg3[%run_scoped3A, %dma_wait3A_63, %dma_wait3A_64] : memref<2x1280x256xi32, #tpu.memory_space<hbm>> -> memref<1x1280x256xi32, #tpu.memory_space<hbm>>
      %dma_wait3A_66 = tpu.memref_squeeze %dma_wait3A_65 : memref<1x1280x256xi32, #tpu.memory_space<hbm>> -> memref<1280x256xi32, #tpu.memory_space<hbm>>
      %dma_wait3A_67 = arith.constant 0 : i32
      %dma_wait3A_68 = tpu.memref_slice %dma_wait3A_66[%mul3A_4, %dma_wait3A_67] : memref<1280x256xi32, #tpu.memory_space<hbm>> -> memref<40x256xi32, #tpu.memory_space<hbm>>
      tpu.wait_dma2 semaphore(%run_scoped3A_44 : memref<!tpu.dma_semaphore, #tpu.memory_space<semaphore_mem>>) src(%dma_wait3A_68 : memref<40x256xi32, #tpu.memory_space<hbm>>) dst(%arg6 : memref<40x256xi32, #tpu.memory_space<vmem>>)
      tpu.yield
    }) : () -> ()
    %mul3A_5 = arith.constant 40 : i32
    %mul3A_6 = arith.muli %add3A, %mul3A_5 : i32
    %run_scoped3A_7 = arith.constant 1 : i32
    "tpu.region"() ({
      %run_scoped3A_44 = tpu.sem_alloc : memref<!tpu.dma_semaphore, #tpu.memory_space<semaphore_mem>>
      %dma_start3A_45 = arith.constant 0 : i32
      %dma_start3A_46 = arith.constant 0 : i32
      %dma_start3A_47 = tpu.memref_slice %arg3[%run_scoped3A_7, %dma_start3A_45, %dma_start3A_46] : memref<2x1280x256xi32, #tpu.memory_space<hbm>> -> memref<1x1280x256xi32, #tpu.memory_space<hbm>>
      %dma_start3A_48 = tpu.memref_squeeze %dma_start3A_47 : memref<1x1280x256xi32, #tpu.memory_space<hbm>> -> memref<1280x256xi32, #tpu.memory_space<hbm>>
      %dma_start3A_49 = arith.constant 0 : i32
      %dma_start3A_50 = tpu.memref_slice %dma_start3A_48[%mul3A_6, %dma_start3A_49] : memref<1280x256xi32, #tpu.memory_space<hbm>> -> memref<40x256xi32, #tpu.memory_space<hbm>>
      %dma_start3A_51 = arith.constant 0 : i32
      %dma_start3A_52 = arith.constant 0 : i32
      %dma_start3A_53 = tpu.memref_slice %arg3[%run_scoped3A_7, %dma_start3A_51, %dma_start3A_52] : memref<2x1280x256xi32, #tpu.memory_space<hbm>> -> memref<1x1280x256xi32, #tpu.memory_space<hbm>>
      %dma_start3A_54 = tpu.memref_squeeze %dma_start3A_53 : memref<1x1280x256xi32, #tpu.memory_space<hbm>> -> memref<1280x256xi32, #tpu.memory_space<hbm>>
      %dma_start3A_55 = arith.constant 0 : i32
      %dma_start3A_56 = tpu.memref_slice %dma_start3A_54[%mul3A_6, %dma_start3A_55] : memref<1280x256xi32, #tpu.memory_space<hbm>> -> memref<40x256xi32, #tpu.memory_space<hbm>>
      tpu.enqueue_dma source(%dma_start3A_56 : memref<40x256xi32, #tpu.memory_space<hbm>>) target(%arg7 : memref<40x256xi32, #tpu.memory_space<vmem>>) target_semaphore(%run_scoped3A_44 : memref<!tpu.dma_semaphore, #tpu.memory_space<semaphore_mem>>)
      %dma_wait3A_57 = arith.constant 0 : i32
      %dma_wait3A_58 = arith.constant 0 : i32
      %dma_wait3A_59 = tpu.memref_slice %arg3[%run_scoped3A_7, %dma_wait3A_57, %dma_wait3A_58] : memref<2x1280x256xi32, #tpu.memory_space<hbm>> -> memref<1x1280x256xi32, #tpu.memory_space<hbm>>
      %dma_wait3A_60 = tpu.memref_squeeze %dma_wait3A_59 : memref<1x1280x256xi32, #tpu.memory_space<hbm>> -> memref<1280x256xi32, #tpu.memory_space<hbm>>
      %dma_wait3A_61 = arith.constant 0 : i32
      %dma_wait3A_62 = tpu.memref_slice %dma_wait3A_60[%mul3A_6, %dma_wait3A_61] : memref<1280x256xi32, #tpu.memory_space<hbm>> -> memref<40x256xi32, #tpu.memory_space<hbm>>
      %dma_wait3A_63 = arith.constant 0 : i32
      %dma_wait3A_64 = arith.constant 0 : i32
      %dma_wait3A_65 = tpu.memref_slice %arg3[%run_scoped3A_7, %dma_wait3A_63, %dma_wait3A_64] : memref<2x1280x256xi32, #tpu.memory_space<hbm>> -> memref<1x1280x256xi32, #tpu.memory_space<hbm>>
      %dma_wait3A_66 = tpu.memref_squeeze %dma_wait3A_65 : memref<1x1280x256xi32, #tpu.memory_space<hbm>> -> memref<1280x256xi32, #tpu.memory_space<hbm>>
      %dma_wait3A_67 = arith.constant 0 : i32
      %dma_wait3A_68 = tpu.memref_slice %dma_wait3A_66[%mul3A_6, %dma_wait3A_67] : memref<1280x256xi32, #tpu.memory_space<hbm>> -> memref<40x256xi32, #tpu.memory_space<hbm>>
      tpu.wait_dma2 semaphore(%run_scoped3A_44 : memref<!tpu.dma_semaphore, #tpu.memory_space<semaphore_mem>>) src(%dma_wait3A_68 : memref<40x256xi32, #tpu.memory_space<hbm>>) dst(%arg7 : memref<40x256xi32, #tpu.memory_space<vmem>>)
      tpu.yield
    }) : () -> ()
    %barrier3A = arith.constant 0 : index
    tpu.barrier barrier_id(%barrier3A)
    %dma_start3A = arith.constant 0 : i32
    %dma_start3A_8 = arith.constant 0 : i32
    %dma_start3A_9 = tpu.memref_slice %arg6[%dma_start3A, %dma_start3A_8] : memref<40x256xi32, #tpu.memory_space<vmem>> -> memref<1x256xi32, #tpu.memory_space<vmem>>
    %dma_start3A_10 = tpu.memref_squeeze %dma_start3A_9 : memref<1x256xi32, #tpu.memory_space<vmem>> -> memref<256xi32, #tpu.memory_space<vmem>>
    %dma_start3A_11 = arith.constant 0 : i32
    %dma_start3A_12 = arith.constant 0 : i32
    %dma_start3A_13 = tpu.memref_slice %arg2[%dma_start3A_11, %dma_start3A_12] : memref<10240x16xf32, #tpu.memory_space<hbm>> -> memref<10240x16xf32, #tpu.memory_space<hbm>>
    tpu.enqueue_indirect_dma source(%dma_start3A_13 : memref<10240x16xf32, #tpu.memory_space<hbm>>) target(%arg8 : memref<256x16xf32, #tpu.memory_space<vmem>>) offsets(%dma_start3A_10 : memref<256xi32, #tpu.memory_space<vmem>>) semaphore(%arg11 : memref<!tpu.dma_semaphore, #tpu.memory_space<semaphore_mem>>)
    %dma_start3A_14 = arith.constant 1 : i32
    %dma_start3A_15 = arith.constant 0 : i32
    %dma_start3A_16 = tpu.memref_slice %arg6[%dma_start3A_14, %dma_start3A_15] : memref<40x256xi32, #tpu.memory_space<vmem>> -> memref<1x256xi32, #tpu.memory_space<vmem>>
    %dma_start3A_17 = tpu.memref_squeeze %dma_start3A_16 : memref<1x256xi32, #tpu.memory_space<vmem>> -> memref<256xi32, #tpu.memory_space<vmem>>
    %dma_start3A_18 = arith.constant 0 : i32
    %dma_start3A_19 = arith.constant 0 : i32
    %dma_start3A_20 = tpu.memref_slice %arg2[%dma_start3A_18, %dma_start3A_19] : memref<10240x16xf32, #tpu.memory_space<hbm>> -> memref<10240x16xf32, #tpu.memory_space<hbm>>
    tpu.enqueue_indirect_dma source(%dma_start3A_20 : memref<10240x16xf32, #tpu.memory_space<hbm>>) target(%arg9 : memref<256x16xf32, #tpu.memory_space<vmem>>) offsets(%dma_start3A_17 : memref<256xi32, #tpu.memory_space<vmem>>) semaphore(%arg12 : memref<!tpu.dma_semaphore, #tpu.memory_space<semaphore_mem>>)
    %scan3A = arith.constant 0 : i32
    %scan3A_21 = arith.constant 0 : i32
    %scan3A_22 = arith.constant 20 : i32
    %scan3A_23 = arith.addi %scan3A_21, %scan3A_22 : i32
    %scan3A_24 = arith.constant 1 : i32
    scf.for %scan3A_44 = %scan3A_21 to %scan3A_23 step %scan3A_24  : i32 {
      %mul3A_45 = arith.constant 2 : i32
      %mul3A_46 = arith.muli %mul3A_45, %scan3A_44 : i32
      %dma_wait3A_47 = arith.constant 0 : i32
      %dma_wait3A_48 = arith.constant 0 : i32
      %dma_wait3A_49 = tpu.memref_slice %arg6[%dma_wait3A_47, %dma_wait3A_48] : memref<40x256xi32, #tpu.memory_space<vmem>> -> memref<1x256xi32, #tpu.memory_space<vmem>>
      %dma_wait3A_50 = tpu.memref_squeeze %dma_wait3A_49 : memref<1x256xi32, #tpu.memory_space<vmem>> -> memref<256xi32, #tpu.memory_space<vmem>>
      %dma_wait3A_51 = arith.constant 0 : i32
      %dma_wait3A_52 = arith.constant 0 : i32
      %dma_wait3A_53 = tpu.memref_slice %arg2[%dma_wait3A_51, %dma_wait3A_52] : memref<10240x16xf32, #tpu.memory_space<hbm>> -> memref<10240x16xf32, #tpu.memory_space<hbm>>
      tpu.wait_indirect_dma semaphore(%arg11 : memref<!tpu.dma_semaphore, #tpu.memory_space<semaphore_mem>>) src(%dma_wait3A_53 : memref<10240x16xf32, #tpu.memory_space<hbm>>) dst(%arg8 : memref<256x16xf32, #tpu.memory_space<vmem>>)
      %dma_start3A_54 = arith.constant 0 : i32
      %dma_start3A_55 = tpu.memref_slice %arg7[%mul3A_46, %dma_start3A_54] : memref<40x256xi32, #tpu.memory_space<vmem>> -> memref<1x256xi32, #tpu.memory_space<vmem>>
      %dma_start3A_56 = tpu.memref_squeeze %dma_start3A_55 : memref<1x256xi32, #tpu.memory_space<vmem>> -> memref<256xi32, #tpu.memory_space<vmem>>
      %dma_start3A_57 = arith.constant 0 : i32
      %dma_start3A_58 = arith.constant 0 : i32
      %dma_start3A_59 = tpu.memref_slice %arg10[%dma_start3A_57, %dma_start3A_58] : memref<10240x16xf32, #tpu.memory_space<vmem_shared>> -> memref<10240x16xf32, #tpu.memory_space<vmem_shared>>
      tpu.enqueue_indirect_dma source(%arg8 : memref<256x16xf32, #tpu.memory_space<vmem>>) target(%dma_start3A_59 : memref<10240x16xf32, #tpu.memory_space<vmem_shared>>) offsets(%dma_start3A_56 : memref<256xi32, #tpu.memory_space<vmem>>) semaphore(%arg13 : memref<!tpu.dma_semaphore, #tpu.memory_space<semaphore_mem>>) {add = true}
      %dma_wait3A_60 = arith.constant 0 : i32
      %dma_wait3A_61 = arith.constant 0 : i32
      %dma_wait3A_62 = tpu.memref_slice %arg6[%dma_wait3A_60, %dma_wait3A_61] : memref<40x256xi32, #tpu.memory_space<vmem>> -> memref<1x256xi32, #tpu.memory_space<vmem>>
      %dma_wait3A_63 = tpu.memref_squeeze %dma_wait3A_62 : memref<1x256xi32, #tpu.memory_space<vmem>> -> memref<256xi32, #tpu.memory_space<vmem>>
      %dma_wait3A_64 = arith.constant 0 : i32
      %dma_wait3A_65 = arith.constant 0 : i32
      %dma_wait3A_66 = tpu.memref_slice %arg2[%dma_wait3A_64, %dma_wait3A_65] : memref<10240x16xf32, #tpu.memory_space<hbm>> -> memref<10240x16xf32, #tpu.memory_space<hbm>>
      tpu.wait_indirect_dma semaphore(%arg12 : memref<!tpu.dma_semaphore, #tpu.memory_space<semaphore_mem>>) src(%dma_wait3A_66 : memref<10240x16xf32, #tpu.memory_space<hbm>>) dst(%arg9 : memref<256x16xf32, #tpu.memory_space<vmem>>)
      %add3A_67 = arith.constant 1 : i32
      %add3A_68 = arith.addi %mul3A_46, %add3A_67 : i32
      %dma_start3A_69 = arith.constant 0 : i32
      %dma_start3A_70 = tpu.memref_slice %arg7[%add3A_68, %dma_start3A_69] : memref<40x256xi32, #tpu.memory_space<vmem>> -> memref<1x256xi32, #tpu.memory_space<vmem>>
      %dma_start3A_71 = tpu.memref_squeeze %dma_start3A_70 : memref<1x256xi32, #tpu.memory_space<vmem>> -> memref<256xi32, #tpu.memory_space<vmem>>
      %dma_start3A_72 = arith.constant 0 : i32
      %dma_start3A_73 = arith.constant 0 : i32
      %dma_start3A_74 = tpu.memref_slice %arg10[%dma_start3A_72, %dma_start3A_73] : memref<10240x16xf32, #tpu.memory_space<vmem_shared>> -> memref<10240x16xf32, #tpu.memory_space<vmem_shared>>
      tpu.enqueue_indirect_dma source(%arg9 : memref<256x16xf32, #tpu.memory_space<vmem>>) target(%dma_start3A_74 : memref<10240x16xf32, #tpu.memory_space<vmem_shared>>) offsets(%dma_start3A_71 : memref<256xi32, #tpu.memory_space<vmem>>) semaphore(%arg14 : memref<!tpu.dma_semaphore, #tpu.memory_space<semaphore_mem>>) {add = true}
      %dma_wait3A_75 = arith.constant 0 : i32
      %dma_wait3A_76 = arith.constant 0 : i32
      %dma_wait3A_77 = tpu.memref_slice %arg7[%dma_wait3A_75, %dma_wait3A_76] : memref<40x256xi32, #tpu.memory_space<vmem>> -> memref<1x256xi32, #tpu.memory_space<vmem>>
      %dma_wait3A_78 = tpu.memref_squeeze %dma_wait3A_77 : memref<1x256xi32, #tpu.memory_space<vmem>> -> memref<256xi32, #tpu.memory_space<vmem>>
      %dma_wait3A_79 = arith.constant 0 : i32
      %dma_wait3A_80 = arith.constant 0 : i32
      %dma_wait3A_81 = tpu.memref_slice %arg10[%dma_wait3A_79, %dma_wait3A_80] : memref<10240x16xf32, #tpu.memory_space<vmem_shared>> -> memref<10240x16xf32, #tpu.memory_space<vmem_shared>>
      tpu.wait_indirect_dma semaphore(%arg13 : memref<!tpu.dma_semaphore, #tpu.memory_space<semaphore_mem>>) src(%arg8 : memref<256x16xf32, #tpu.memory_space<vmem>>) dst(%dma_wait3A_81 : memref<10240x16xf32, #tpu.memory_space<vmem_shared>>)
      %add3A_82 = arith.constant 2 : i32
      %add3A_83 = arith.addi %mul3A_46, %add3A_82 : i32
      %min3A = arith.constant 38 : i32
      %min3A_84 = arith.minsi %add3A_83, %min3A : i32
      %dma_start3A_85 = arith.constant 0 : i32
      %dma_start3A_86 = tpu.memref_slice %arg6[%min3A_84, %dma_start3A_85] : memref<40x256xi32, #tpu.memory_space<vmem>> -> memref<1x256xi32, #tpu.memory_space<vmem>>
      %dma_start3A_87 = tpu.memref_squeeze %dma_start3A_86 : memref<1x256xi32, #tpu.memory_space<vmem>> -> memref<256xi32, #tpu.memory_space<vmem>>
      %dma_start3A_88 = arith.constant 0 : i32
      %dma_start3A_89 = arith.constant 0 : i32
      %dma_start3A_90 = tpu.memref_slice %arg2[%dma_start3A_88, %dma_start3A_89] : memref<10240x16xf32, #tpu.memory_space<hbm>> -> memref<10240x16xf32, #tpu.memory_space<hbm>>
      tpu.enqueue_indirect_dma source(%dma_start3A_90 : memref<10240x16xf32, #tpu.memory_space<hbm>>) target(%arg8 : memref<256x16xf32, #tpu.memory_space<vmem>>) offsets(%dma_start3A_87 : memref<256xi32, #tpu.memory_space<vmem>>) semaphore(%arg11 : memref<!tpu.dma_semaphore, #tpu.memory_space<semaphore_mem>>)
      %dma_wait3A_91 = arith.constant 0 : i32
      %dma_wait3A_92 = arith.constant 0 : i32
      %dma_wait3A_93 = tpu.memref_slice %arg7[%dma_wait3A_91, %dma_wait3A_92] : memref<40x256xi32, #tpu.memory_space<vmem>> -> memref<1x256xi32, #tpu.memory_space<vmem>>
      %dma_wait3A_94 = tpu.memref_squeeze %dma_wait3A_93 : memref<1x256xi32, #tpu.memory_space<vmem>> -> memref<256xi32, #tpu.memory_space<vmem>>
      %dma_wait3A_95 = arith.constant 0 : i32
      %dma_wait3A_96 = arith.constant 0 : i32
      %dma_wait3A_97 = tpu.memref_slice %arg10[%dma_wait3A_95, %dma_wait3A_96] : memref<10240x16xf32, #tpu.memory_space<vmem_shared>> -> memref<10240x16xf32, #tpu.memory_space<vmem_shared>>
      tpu.wait_indirect_dma semaphore(%arg14 : memref<!tpu.dma_semaphore, #tpu.memory_space<semaphore_mem>>) src(%arg9 : memref<256x16xf32, #tpu.memory_space<vmem>>) dst(%dma_wait3A_97 : memref<10240x16xf32, #tpu.memory_space<vmem_shared>>)
      %add3A_98 = arith.constant 3 : i32
      %add3A_99 = arith.addi %mul3A_46, %add3A_98 : i32
      %min3A_100 = arith.constant 39 : i32
      %min3A_101 = arith.minsi %add3A_99, %min3A_100 : i32
      %dma_start3A_102 = arith.constant 0 : i32
      %dma_start3A_103 = tpu.memref_slice %arg6[%min3A_101, %dma_start3A_102] : memref<40x256xi32, #tpu.memory_space<vmem>> -> memref<1x256xi32, #tpu.memory_space<vmem>>
      %dma_start3A_104 = tpu.memref_squeeze %dma_start3A_103 : memref<1x256xi32, #tpu.memory_space<vmem>> -> memref<256xi32, #tpu.memory_space<vmem>>
      %dma_start3A_105 = arith.constant 0 : i32
      %dma_start3A_106 = arith.constant 0 : i32
      %dma_start3A_107 = tpu.memref_slice %arg2[%dma_start3A_105, %dma_start3A_106] : memref<10240x16xf32, #tpu.memory_space<hbm>> -> memref<10240x16xf32, #tpu.memory_space<hbm>>
      tpu.enqueue_indirect_dma source(%dma_start3A_107 : memref<10240x16xf32, #tpu.memory_space<hbm>>) target(%arg9 : memref<256x16xf32, #tpu.memory_space<vmem>>) offsets(%dma_start3A_104 : memref<256xi32, #tpu.memory_space<vmem>>) semaphore(%arg12 : memref<!tpu.dma_semaphore, #tpu.memory_space<semaphore_mem>>)
    }
    %scan3A_25 = arith.constant 20 : i32
    %dma_wait3A = arith.constant 0 : i32
    %dma_wait3A_26 = arith.constant 0 : i32
    %dma_wait3A_27 = tpu.memref_slice %arg6[%dma_wait3A, %dma_wait3A_26] : memref<40x256xi32, #tpu.memory_space<vmem>> -> memref<1x256xi32, #tpu.memory_space<vmem>>
    %dma_wait3A_28 = tpu.memref_squeeze %dma_wait3A_27 : memref<1x256xi32, #tpu.memory_space<vmem>> -> memref<256xi32, #tpu.memory_space<vmem>>
    %dma_wait3A_29 = arith.constant 0 : i32
    %dma_wait3A_30 = arith.constant 0 : i32
    %dma_wait3A_31 = tpu.memref_slice %arg2[%dma_wait3A_29, %dma_wait3A_30] : memref<10240x16xf32, #tpu.memory_space<hbm>> -> memref<10240x16xf32, #tpu.memory_space<hbm>>
    tpu.wait_indirect_dma semaphore(%arg11 : memref<!tpu.dma_semaphore, #tpu.memory_space<semaphore_mem>>) src(%dma_wait3A_31 : memref<10240x16xf32, #tpu.memory_space<hbm>>) dst(%arg8 : memref<256x16xf32, #tpu.memory_space<vmem>>)
    %dma_wait3A_32 = arith.constant 0 : i32
    %dma_wait3A_33 = arith.constant 0 : i32
    %dma_wait3A_34 = tpu.memref_slice %arg6[%dma_wait3A_32, %dma_wait3A_33] : memref<40x256xi32, #tpu.memory_space<vmem>> -> memref<1x256xi32, #tpu.memory_space<vmem>>
    %dma_wait3A_35 = tpu.memref_squeeze %dma_wait3A_34 : memref<1x256xi32, #tpu.memory_space<vmem>> -> memref<256xi32, #tpu.memory_space<vmem>>
    %dma_wait3A_36 = arith.constant 0 : i32
    %dma_wait3A_37 = arith.constant 0 : i32
    %dma_wait3A_38 = tpu.memref_slice %arg2[%dma_wait3A_36, %dma_wait3A_37] : memref<10240x16xf32, #tpu.memory_space<hbm>> -> memref<10240x16xf32, #tpu.memory_space<hbm>>
    tpu.wait_indirect_dma semaphore(%arg12 : memref<!tpu.dma_semaphore, #tpu.memory_space<semaphore_mem>>) src(%dma_wait3A_38 : memref<10240x16xf32, #tpu.memory_space<hbm>>) dst(%arg9 : memref<256x16xf32, #tpu.memory_space<vmem>>)
    %barrier3A_39 = arith.constant 0 : index
    tpu.barrier barrier_id(%barrier3A_39)
    %mul3A_40 = arith.constant 640 : i32
    %mul3A_41 = arith.muli %arg1, %mul3A_40 : i32
    %mul3A_42 = arith.constant 640 : i32
    %mul3A_43 = arith.muli %arg1, %mul3A_42 : i32
    "tpu.region"() ({
      %run_scoped3A_44 = tpu.sem_alloc : memref<!tpu.dma_semaphore, #tpu.memory_space<semaphore_mem>>
      %dma_start3A_45 = arith.constant 0 : i32
      %dma_start3A_46 = arith.constant 0 : i32
      %dma_start3A_47 = tpu.memref_slice %arg5[%arg0, %dma_start3A_45, %dma_start3A_46] : memref<2x10240x16xf32, #tpu.memory_space<hbm>> -> memref<1x10240x16xf32, #tpu.memory_space<hbm>>
      %dma_start3A_48 = tpu.memref_squeeze %dma_start3A_47 : memref<1x10240x16xf32, #tpu.memory_space<hbm>> -> memref<10240x16xf32, #tpu.memory_space<hbm>>
      %dma_start3A_49 = arith.constant 0 : i32
      %dma_start3A_50 = tpu.memref_slice %dma_start3A_48[%mul3A_43, %dma_start3A_49] : memref<10240x16xf32, #tpu.memory_space<hbm>> -> memref<640x16xf32, #tpu.memory_space<hbm>>
      %dma_start3A_51 = arith.constant 0 : i32
      %dma_start3A_52 = tpu.memref_slice %arg10[%mul3A_41, %dma_start3A_51] : memref<10240x16xf32, #tpu.memory_space<vmem_shared>> -> memref<640x16xf32, #tpu.memory_space<vmem_shared>>
      tpu.enqueue_dma source(%dma_start3A_52 : memref<640x16xf32, #tpu.memory_space<vmem_shared>>) target(%dma_start3A_50 : memref<640x16xf32, #tpu.memory_space<hbm>>) target_semaphore(%run_scoped3A_44 : memref<!tpu.dma_semaphore, #tpu.memory_space<semaphore_mem>>)
      %dma_wait3A_53 = arith.constant 0 : i32
      %dma_wait3A_54 = arith.constant 0 : i32
      %dma_wait3A_55 = tpu.memref_slice %arg5[%arg0, %dma_wait3A_53, %dma_wait3A_54] : memref<2x10240x16xf32, #tpu.memory_space<hbm>> -> memref<1x10240x16xf32, #tpu.memory_space<hbm>>
      %dma_wait3A_56 = tpu.memref_squeeze %dma_wait3A_55 : memref<1x10240x16xf32, #tpu.memory_space<hbm>> -> memref<10240x16xf32, #tpu.memory_space<hbm>>
      %dma_wait3A_57 = arith.constant 0 : i32
      %dma_wait3A_58 = tpu.memref_slice %dma_wait3A_56[%mul3A_43, %dma_wait3A_57] : memref<10240x16xf32, #tpu.memory_space<hbm>> -> memref<640x16xf32, #tpu.memory_space<hbm>>
      %dma_wait3A_59 = arith.constant 0 : i32
      %dma_wait3A_60 = tpu.memref_slice %arg10[%mul3A_41, %dma_wait3A_59] : memref<10240x16xf32, #tpu.memory_space<vmem_shared>> -> memref<640x16xf32, #tpu.memory_space<vmem_shared>>
      tpu.wait_dma2 semaphore(%run_scoped3A_44 : memref<!tpu.dma_semaphore, #tpu.memory_space<semaphore_mem>>) src(%dma_wait3A_60 : memref<640x16xf32, #tpu.memory_space<vmem_shared>>) dst(%dma_wait3A_58 : memref<640x16xf32, #tpu.memory_space<hbm>>)
      tpu.yield
    }) : () -> ()
    return
  }
}

#map = affine_map<(d0, d1) -> (0, 0)>
#map1 = affine_map<(d0, d1) -> (0, 0, 0)>
module attributes {stable_mosaic.version = 14 : i64} {
  func.func @agg(%arg0: i32, %arg1: i32, %arg2: memref<10240x64xf32, #tpu.memory_space<hbm>>, %arg3: memref<2x1280x256xi32, #tpu.memory_space<hbm>>, %arg4: memref<640x64xf32, #tpu.memory_space<hbm>>, %arg5: memref<2x10240x64xf32, #tpu.memory_space<hbm>>, %arg6: memref<40x256xi32, #tpu.memory_space<vmem>>, %arg7: memref<40x256xi32, #tpu.memory_space<vmem>>, %arg8: memref<256x64xf32, #tpu.memory_space<vmem>>, %arg9: memref<256x64xf32, #tpu.memory_space<vmem>>, %arg10: memref<10240x64xf32, #tpu.memory_space<vmem_shared>>, %arg11: memref<!tpu.dma_semaphore, #tpu.memory_space<semaphore_mem>>, %arg12: memref<!tpu.dma_semaphore, #tpu.memory_space<semaphore_mem>>, %arg13: memref<!tpu.dma_semaphore, #tpu.memory_space<semaphore_mem>>, %arg14: memref<!tpu.dma_semaphore, #tpu.memory_space<semaphore_mem>>) attributes {dimension_semantics = [#tpu.dimension_semantics<core_parallel>, #tpu.dimension_semantics<subcore_parallel>], iteration_bounds = array<i64: 2, 16>, scalar_prefetch = 0 : i64, scratch_operands = 9 : i64, tpu.core_type = #tpu.core_type<sc_vector_subcore>, window_params = [{transform_indices = #map}, {transform_indices = #map1}, {transform_indices = #map}, {transform_indices = #map1}]} {
    %mul3A = arith.constant 16 : i32
    %mul3A_0 = arith.muli %arg0, %mul3A : i32
    %add3A = arith.addi %mul3A_0, %arg1 : i32
    %mul3A_1 = arith.constant 640 : i32
    %mul3A_2 = arith.muli %arg1, %mul3A_1 : i32
    "tpu.region"() ({
      %run_scoped3A_44 = tpu.sem_alloc : memref<!tpu.dma_semaphore, #tpu.memory_space<semaphore_mem>>
      %dma_start3A_45 = arith.constant 0 : i32
      %dma_start3A_46 = tpu.memref_slice %arg10[%mul3A_2, %dma_start3A_45] : memref<10240x64xf32, #tpu.memory_space<vmem_shared>> -> memref<640x64xf32, #tpu.memory_space<vmem_shared>>
      tpu.enqueue_dma source(%arg4 : memref<640x64xf32, #tpu.memory_space<hbm>>) target(%dma_start3A_46 : memref<640x64xf32, #tpu.memory_space<vmem_shared>>) target_semaphore(%run_scoped3A_44 : memref<!tpu.dma_semaphore, #tpu.memory_space<semaphore_mem>>)
      %dma_wait3A_47 = arith.constant 0 : i32
      %dma_wait3A_48 = tpu.memref_slice %arg10[%mul3A_2, %dma_wait3A_47] : memref<10240x64xf32, #tpu.memory_space<vmem_shared>> -> memref<640x64xf32, #tpu.memory_space<vmem_shared>>
      tpu.wait_dma2 semaphore(%run_scoped3A_44 : memref<!tpu.dma_semaphore, #tpu.memory_space<semaphore_mem>>) src(%arg4 : memref<640x64xf32, #tpu.memory_space<hbm>>) dst(%dma_wait3A_48 : memref<640x64xf32, #tpu.memory_space<vmem_shared>>)
      tpu.yield
    }) : () -> ()
    %mul3A_3 = arith.constant 40 : i32
    %mul3A_4 = arith.muli %add3A, %mul3A_3 : i32
    %run_scoped3A = arith.constant 0 : i32
    "tpu.region"() ({
      %run_scoped3A_44 = tpu.sem_alloc : memref<!tpu.dma_semaphore, #tpu.memory_space<semaphore_mem>>
      %dma_start3A_45 = arith.constant 0 : i32
      %dma_start3A_46 = arith.constant 0 : i32
      %dma_start3A_47 = tpu.memref_slice %arg3[%run_scoped3A, %dma_start3A_45, %dma_start3A_46] : memref<2x1280x256xi32, #tpu.memory_space<hbm>> -> memref<1x1280x256xi32, #tpu.memory_space<hbm>>
      %dma_start3A_48 = tpu.memref_squeeze %dma_start3A_47 : memref<1x1280x256xi32, #tpu.memory_space<hbm>> -> memref<1280x256xi32, #tpu.memory_space<hbm>>
      %dma_start3A_49 = arith.constant 0 : i32
      %dma_start3A_50 = tpu.memref_slice %dma_start3A_48[%mul3A_4, %dma_start3A_49] : memref<1280x256xi32, #tpu.memory_space<hbm>> -> memref<40x256xi32, #tpu.memory_space<hbm>>
      %dma_start3A_51 = arith.constant 0 : i32
      %dma_start3A_52 = arith.constant 0 : i32
      %dma_start3A_53 = tpu.memref_slice %arg3[%run_scoped3A, %dma_start3A_51, %dma_start3A_52] : memref<2x1280x256xi32, #tpu.memory_space<hbm>> -> memref<1x1280x256xi32, #tpu.memory_space<hbm>>
      %dma_start3A_54 = tpu.memref_squeeze %dma_start3A_53 : memref<1x1280x256xi32, #tpu.memory_space<hbm>> -> memref<1280x256xi32, #tpu.memory_space<hbm>>
      %dma_start3A_55 = arith.constant 0 : i32
      %dma_start3A_56 = tpu.memref_slice %dma_start3A_54[%mul3A_4, %dma_start3A_55] : memref<1280x256xi32, #tpu.memory_space<hbm>> -> memref<40x256xi32, #tpu.memory_space<hbm>>
      tpu.enqueue_dma source(%dma_start3A_56 : memref<40x256xi32, #tpu.memory_space<hbm>>) target(%arg6 : memref<40x256xi32, #tpu.memory_space<vmem>>) target_semaphore(%run_scoped3A_44 : memref<!tpu.dma_semaphore, #tpu.memory_space<semaphore_mem>>)
      %dma_wait3A_57 = arith.constant 0 : i32
      %dma_wait3A_58 = arith.constant 0 : i32
      %dma_wait3A_59 = tpu.memref_slice %arg3[%run_scoped3A, %dma_wait3A_57, %dma_wait3A_58] : memref<2x1280x256xi32, #tpu.memory_space<hbm>> -> memref<1x1280x256xi32, #tpu.memory_space<hbm>>
      %dma_wait3A_60 = tpu.memref_squeeze %dma_wait3A_59 : memref<1x1280x256xi32, #tpu.memory_space<hbm>> -> memref<1280x256xi32, #tpu.memory_space<hbm>>
      %dma_wait3A_61 = arith.constant 0 : i32
      %dma_wait3A_62 = tpu.memref_slice %dma_wait3A_60[%mul3A_4, %dma_wait3A_61] : memref<1280x256xi32, #tpu.memory_space<hbm>> -> memref<40x256xi32, #tpu.memory_space<hbm>>
      %dma_wait3A_63 = arith.constant 0 : i32
      %dma_wait3A_64 = arith.constant 0 : i32
      %dma_wait3A_65 = tpu.memref_slice %arg3[%run_scoped3A, %dma_wait3A_63, %dma_wait3A_64] : memref<2x1280x256xi32, #tpu.memory_space<hbm>> -> memref<1x1280x256xi32, #tpu.memory_space<hbm>>
      %dma_wait3A_66 = tpu.memref_squeeze %dma_wait3A_65 : memref<1x1280x256xi32, #tpu.memory_space<hbm>> -> memref<1280x256xi32, #tpu.memory_space<hbm>>
      %dma_wait3A_67 = arith.constant 0 : i32
      %dma_wait3A_68 = tpu.memref_slice %dma_wait3A_66[%mul3A_4, %dma_wait3A_67] : memref<1280x256xi32, #tpu.memory_space<hbm>> -> memref<40x256xi32, #tpu.memory_space<hbm>>
      tpu.wait_dma2 semaphore(%run_scoped3A_44 : memref<!tpu.dma_semaphore, #tpu.memory_space<semaphore_mem>>) src(%dma_wait3A_68 : memref<40x256xi32, #tpu.memory_space<hbm>>) dst(%arg6 : memref<40x256xi32, #tpu.memory_space<vmem>>)
      tpu.yield
    }) : () -> ()
    %mul3A_5 = arith.constant 40 : i32
    %mul3A_6 = arith.muli %add3A, %mul3A_5 : i32
    %run_scoped3A_7 = arith.constant 1 : i32
    "tpu.region"() ({
      %run_scoped3A_44 = tpu.sem_alloc : memref<!tpu.dma_semaphore, #tpu.memory_space<semaphore_mem>>
      %dma_start3A_45 = arith.constant 0 : i32
      %dma_start3A_46 = arith.constant 0 : i32
      %dma_start3A_47 = tpu.memref_slice %arg3[%run_scoped3A_7, %dma_start3A_45, %dma_start3A_46] : memref<2x1280x256xi32, #tpu.memory_space<hbm>> -> memref<1x1280x256xi32, #tpu.memory_space<hbm>>
      %dma_start3A_48 = tpu.memref_squeeze %dma_start3A_47 : memref<1x1280x256xi32, #tpu.memory_space<hbm>> -> memref<1280x256xi32, #tpu.memory_space<hbm>>
      %dma_start3A_49 = arith.constant 0 : i32
      %dma_start3A_50 = tpu.memref_slice %dma_start3A_48[%mul3A_6, %dma_start3A_49] : memref<1280x256xi32, #tpu.memory_space<hbm>> -> memref<40x256xi32, #tpu.memory_space<hbm>>
      %dma_start3A_51 = arith.constant 0 : i32
      %dma_start3A_52 = arith.constant 0 : i32
      %dma_start3A_53 = tpu.memref_slice %arg3[%run_scoped3A_7, %dma_start3A_51, %dma_start3A_52] : memref<2x1280x256xi32, #tpu.memory_space<hbm>> -> memref<1x1280x256xi32, #tpu.memory_space<hbm>>
      %dma_start3A_54 = tpu.memref_squeeze %dma_start3A_53 : memref<1x1280x256xi32, #tpu.memory_space<hbm>> -> memref<1280x256xi32, #tpu.memory_space<hbm>>
      %dma_start3A_55 = arith.constant 0 : i32
      %dma_start3A_56 = tpu.memref_slice %dma_start3A_54[%mul3A_6, %dma_start3A_55] : memref<1280x256xi32, #tpu.memory_space<hbm>> -> memref<40x256xi32, #tpu.memory_space<hbm>>
      tpu.enqueue_dma source(%dma_start3A_56 : memref<40x256xi32, #tpu.memory_space<hbm>>) target(%arg7 : memref<40x256xi32, #tpu.memory_space<vmem>>) target_semaphore(%run_scoped3A_44 : memref<!tpu.dma_semaphore, #tpu.memory_space<semaphore_mem>>)
      %dma_wait3A_57 = arith.constant 0 : i32
      %dma_wait3A_58 = arith.constant 0 : i32
      %dma_wait3A_59 = tpu.memref_slice %arg3[%run_scoped3A_7, %dma_wait3A_57, %dma_wait3A_58] : memref<2x1280x256xi32, #tpu.memory_space<hbm>> -> memref<1x1280x256xi32, #tpu.memory_space<hbm>>
      %dma_wait3A_60 = tpu.memref_squeeze %dma_wait3A_59 : memref<1x1280x256xi32, #tpu.memory_space<hbm>> -> memref<1280x256xi32, #tpu.memory_space<hbm>>
      %dma_wait3A_61 = arith.constant 0 : i32
      %dma_wait3A_62 = tpu.memref_slice %dma_wait3A_60[%mul3A_6, %dma_wait3A_61] : memref<1280x256xi32, #tpu.memory_space<hbm>> -> memref<40x256xi32, #tpu.memory_space<hbm>>
      %dma_wait3A_63 = arith.constant 0 : i32
      %dma_wait3A_64 = arith.constant 0 : i32
      %dma_wait3A_65 = tpu.memref_slice %arg3[%run_scoped3A_7, %dma_wait3A_63, %dma_wait3A_64] : memref<2x1280x256xi32, #tpu.memory_space<hbm>> -> memref<1x1280x256xi32, #tpu.memory_space<hbm>>
      %dma_wait3A_66 = tpu.memref_squeeze %dma_wait3A_65 : memref<1x1280x256xi32, #tpu.memory_space<hbm>> -> memref<1280x256xi32, #tpu.memory_space<hbm>>
      %dma_wait3A_67 = arith.constant 0 : i32
      %dma_wait3A_68 = tpu.memref_slice %dma_wait3A_66[%mul3A_6, %dma_wait3A_67] : memref<1280x256xi32, #tpu.memory_space<hbm>> -> memref<40x256xi32, #tpu.memory_space<hbm>>
      tpu.wait_dma2 semaphore(%run_scoped3A_44 : memref<!tpu.dma_semaphore, #tpu.memory_space<semaphore_mem>>) src(%dma_wait3A_68 : memref<40x256xi32, #tpu.memory_space<hbm>>) dst(%arg7 : memref<40x256xi32, #tpu.memory_space<vmem>>)
      tpu.yield
    }) : () -> ()
    %barrier3A = arith.constant 0 : index
    tpu.barrier barrier_id(%barrier3A)
    %dma_start3A = arith.constant 0 : i32
    %dma_start3A_8 = arith.constant 0 : i32
    %dma_start3A_9 = tpu.memref_slice %arg6[%dma_start3A, %dma_start3A_8] : memref<40x256xi32, #tpu.memory_space<vmem>> -> memref<1x256xi32, #tpu.memory_space<vmem>>
    %dma_start3A_10 = tpu.memref_squeeze %dma_start3A_9 : memref<1x256xi32, #tpu.memory_space<vmem>> -> memref<256xi32, #tpu.memory_space<vmem>>
    %dma_start3A_11 = arith.constant 0 : i32
    %dma_start3A_12 = arith.constant 0 : i32
    %dma_start3A_13 = tpu.memref_slice %arg2[%dma_start3A_11, %dma_start3A_12] : memref<10240x64xf32, #tpu.memory_space<hbm>> -> memref<10240x64xf32, #tpu.memory_space<hbm>>
    tpu.enqueue_indirect_dma source(%dma_start3A_13 : memref<10240x64xf32, #tpu.memory_space<hbm>>) target(%arg8 : memref<256x64xf32, #tpu.memory_space<vmem>>) offsets(%dma_start3A_10 : memref<256xi32, #tpu.memory_space<vmem>>) semaphore(%arg11 : memref<!tpu.dma_semaphore, #tpu.memory_space<semaphore_mem>>)
    %dma_start3A_14 = arith.constant 1 : i32
    %dma_start3A_15 = arith.constant 0 : i32
    %dma_start3A_16 = tpu.memref_slice %arg6[%dma_start3A_14, %dma_start3A_15] : memref<40x256xi32, #tpu.memory_space<vmem>> -> memref<1x256xi32, #tpu.memory_space<vmem>>
    %dma_start3A_17 = tpu.memref_squeeze %dma_start3A_16 : memref<1x256xi32, #tpu.memory_space<vmem>> -> memref<256xi32, #tpu.memory_space<vmem>>
    %dma_start3A_18 = arith.constant 0 : i32
    %dma_start3A_19 = arith.constant 0 : i32
    %dma_start3A_20 = tpu.memref_slice %arg2[%dma_start3A_18, %dma_start3A_19] : memref<10240x64xf32, #tpu.memory_space<hbm>> -> memref<10240x64xf32, #tpu.memory_space<hbm>>
    tpu.enqueue_indirect_dma source(%dma_start3A_20 : memref<10240x64xf32, #tpu.memory_space<hbm>>) target(%arg9 : memref<256x64xf32, #tpu.memory_space<vmem>>) offsets(%dma_start3A_17 : memref<256xi32, #tpu.memory_space<vmem>>) semaphore(%arg12 : memref<!tpu.dma_semaphore, #tpu.memory_space<semaphore_mem>>)
    %scan3A = arith.constant 0 : i32
    %scan3A_21 = arith.constant 0 : i32
    %scan3A_22 = arith.constant 20 : i32
    %scan3A_23 = arith.addi %scan3A_21, %scan3A_22 : i32
    %scan3A_24 = arith.constant 1 : i32
    scf.for %scan3A_44 = %scan3A_21 to %scan3A_23 step %scan3A_24  : i32 {
      %mul3A_45 = arith.constant 2 : i32
      %mul3A_46 = arith.muli %mul3A_45, %scan3A_44 : i32
      %dma_wait3A_47 = arith.constant 0 : i32
      %dma_wait3A_48 = arith.constant 0 : i32
      %dma_wait3A_49 = tpu.memref_slice %arg6[%dma_wait3A_47, %dma_wait3A_48] : memref<40x256xi32, #tpu.memory_space<vmem>> -> memref<1x256xi32, #tpu.memory_space<vmem>>
      %dma_wait3A_50 = tpu.memref_squeeze %dma_wait3A_49 : memref<1x256xi32, #tpu.memory_space<vmem>> -> memref<256xi32, #tpu.memory_space<vmem>>
      %dma_wait3A_51 = arith.constant 0 : i32
      %dma_wait3A_52 = arith.constant 0 : i32
      %dma_wait3A_53 = tpu.memref_slice %arg2[%dma_wait3A_51, %dma_wait3A_52] : memref<10240x64xf32, #tpu.memory_space<hbm>> -> memref<10240x64xf32, #tpu.memory_space<hbm>>
      tpu.wait_indirect_dma semaphore(%arg11 : memref<!tpu.dma_semaphore, #tpu.memory_space<semaphore_mem>>) src(%dma_wait3A_53 : memref<10240x64xf32, #tpu.memory_space<hbm>>) dst(%arg8 : memref<256x64xf32, #tpu.memory_space<vmem>>)
      %dma_start3A_54 = arith.constant 0 : i32
      %dma_start3A_55 = tpu.memref_slice %arg7[%mul3A_46, %dma_start3A_54] : memref<40x256xi32, #tpu.memory_space<vmem>> -> memref<1x256xi32, #tpu.memory_space<vmem>>
      %dma_start3A_56 = tpu.memref_squeeze %dma_start3A_55 : memref<1x256xi32, #tpu.memory_space<vmem>> -> memref<256xi32, #tpu.memory_space<vmem>>
      %dma_start3A_57 = arith.constant 0 : i32
      %dma_start3A_58 = arith.constant 0 : i32
      %dma_start3A_59 = tpu.memref_slice %arg10[%dma_start3A_57, %dma_start3A_58] : memref<10240x64xf32, #tpu.memory_space<vmem_shared>> -> memref<10240x64xf32, #tpu.memory_space<vmem_shared>>
      tpu.enqueue_indirect_dma source(%arg8 : memref<256x64xf32, #tpu.memory_space<vmem>>) target(%dma_start3A_59 : memref<10240x64xf32, #tpu.memory_space<vmem_shared>>) offsets(%dma_start3A_56 : memref<256xi32, #tpu.memory_space<vmem>>) semaphore(%arg13 : memref<!tpu.dma_semaphore, #tpu.memory_space<semaphore_mem>>) {add = true}
      %dma_wait3A_60 = arith.constant 0 : i32
      %dma_wait3A_61 = arith.constant 0 : i32
      %dma_wait3A_62 = tpu.memref_slice %arg6[%dma_wait3A_60, %dma_wait3A_61] : memref<40x256xi32, #tpu.memory_space<vmem>> -> memref<1x256xi32, #tpu.memory_space<vmem>>
      %dma_wait3A_63 = tpu.memref_squeeze %dma_wait3A_62 : memref<1x256xi32, #tpu.memory_space<vmem>> -> memref<256xi32, #tpu.memory_space<vmem>>
      %dma_wait3A_64 = arith.constant 0 : i32
      %dma_wait3A_65 = arith.constant 0 : i32
      %dma_wait3A_66 = tpu.memref_slice %arg2[%dma_wait3A_64, %dma_wait3A_65] : memref<10240x64xf32, #tpu.memory_space<hbm>> -> memref<10240x64xf32, #tpu.memory_space<hbm>>
      tpu.wait_indirect_dma semaphore(%arg12 : memref<!tpu.dma_semaphore, #tpu.memory_space<semaphore_mem>>) src(%dma_wait3A_66 : memref<10240x64xf32, #tpu.memory_space<hbm>>) dst(%arg9 : memref<256x64xf32, #tpu.memory_space<vmem>>)
      %add3A_67 = arith.constant 1 : i32
      %add3A_68 = arith.addi %mul3A_46, %add3A_67 : i32
      %dma_start3A_69 = arith.constant 0 : i32
      %dma_start3A_70 = tpu.memref_slice %arg7[%add3A_68, %dma_start3A_69] : memref<40x256xi32, #tpu.memory_space<vmem>> -> memref<1x256xi32, #tpu.memory_space<vmem>>
      %dma_start3A_71 = tpu.memref_squeeze %dma_start3A_70 : memref<1x256xi32, #tpu.memory_space<vmem>> -> memref<256xi32, #tpu.memory_space<vmem>>
      %dma_start3A_72 = arith.constant 0 : i32
      %dma_start3A_73 = arith.constant 0 : i32
      %dma_start3A_74 = tpu.memref_slice %arg10[%dma_start3A_72, %dma_start3A_73] : memref<10240x64xf32, #tpu.memory_space<vmem_shared>> -> memref<10240x64xf32, #tpu.memory_space<vmem_shared>>
      tpu.enqueue_indirect_dma source(%arg9 : memref<256x64xf32, #tpu.memory_space<vmem>>) target(%dma_start3A_74 : memref<10240x64xf32, #tpu.memory_space<vmem_shared>>) offsets(%dma_start3A_71 : memref<256xi32, #tpu.memory_space<vmem>>) semaphore(%arg14 : memref<!tpu.dma_semaphore, #tpu.memory_space<semaphore_mem>>) {add = true}
      %dma_wait3A_75 = arith.constant 0 : i32
      %dma_wait3A_76 = arith.constant 0 : i32
      %dma_wait3A_77 = tpu.memref_slice %arg7[%dma_wait3A_75, %dma_wait3A_76] : memref<40x256xi32, #tpu.memory_space<vmem>> -> memref<1x256xi32, #tpu.memory_space<vmem>>
      %dma_wait3A_78 = tpu.memref_squeeze %dma_wait3A_77 : memref<1x256xi32, #tpu.memory_space<vmem>> -> memref<256xi32, #tpu.memory_space<vmem>>
      %dma_wait3A_79 = arith.constant 0 : i32
      %dma_wait3A_80 = arith.constant 0 : i32
      %dma_wait3A_81 = tpu.memref_slice %arg10[%dma_wait3A_79, %dma_wait3A_80] : memref<10240x64xf32, #tpu.memory_space<vmem_shared>> -> memref<10240x64xf32, #tpu.memory_space<vmem_shared>>
      tpu.wait_indirect_dma semaphore(%arg13 : memref<!tpu.dma_semaphore, #tpu.memory_space<semaphore_mem>>) src(%arg8 : memref<256x64xf32, #tpu.memory_space<vmem>>) dst(%dma_wait3A_81 : memref<10240x64xf32, #tpu.memory_space<vmem_shared>>)
      %add3A_82 = arith.constant 2 : i32
      %add3A_83 = arith.addi %mul3A_46, %add3A_82 : i32
      %min3A = arith.constant 38 : i32
      %min3A_84 = arith.minsi %add3A_83, %min3A : i32
      %dma_start3A_85 = arith.constant 0 : i32
      %dma_start3A_86 = tpu.memref_slice %arg6[%min3A_84, %dma_start3A_85] : memref<40x256xi32, #tpu.memory_space<vmem>> -> memref<1x256xi32, #tpu.memory_space<vmem>>
      %dma_start3A_87 = tpu.memref_squeeze %dma_start3A_86 : memref<1x256xi32, #tpu.memory_space<vmem>> -> memref<256xi32, #tpu.memory_space<vmem>>
      %dma_start3A_88 = arith.constant 0 : i32
      %dma_start3A_89 = arith.constant 0 : i32
      %dma_start3A_90 = tpu.memref_slice %arg2[%dma_start3A_88, %dma_start3A_89] : memref<10240x64xf32, #tpu.memory_space<hbm>> -> memref<10240x64xf32, #tpu.memory_space<hbm>>
      tpu.enqueue_indirect_dma source(%dma_start3A_90 : memref<10240x64xf32, #tpu.memory_space<hbm>>) target(%arg8 : memref<256x64xf32, #tpu.memory_space<vmem>>) offsets(%dma_start3A_87 : memref<256xi32, #tpu.memory_space<vmem>>) semaphore(%arg11 : memref<!tpu.dma_semaphore, #tpu.memory_space<semaphore_mem>>)
      %dma_wait3A_91 = arith.constant 0 : i32
      %dma_wait3A_92 = arith.constant 0 : i32
      %dma_wait3A_93 = tpu.memref_slice %arg7[%dma_wait3A_91, %dma_wait3A_92] : memref<40x256xi32, #tpu.memory_space<vmem>> -> memref<1x256xi32, #tpu.memory_space<vmem>>
      %dma_wait3A_94 = tpu.memref_squeeze %dma_wait3A_93 : memref<1x256xi32, #tpu.memory_space<vmem>> -> memref<256xi32, #tpu.memory_space<vmem>>
      %dma_wait3A_95 = arith.constant 0 : i32
      %dma_wait3A_96 = arith.constant 0 : i32
      %dma_wait3A_97 = tpu.memref_slice %arg10[%dma_wait3A_95, %dma_wait3A_96] : memref<10240x64xf32, #tpu.memory_space<vmem_shared>> -> memref<10240x64xf32, #tpu.memory_space<vmem_shared>>
      tpu.wait_indirect_dma semaphore(%arg14 : memref<!tpu.dma_semaphore, #tpu.memory_space<semaphore_mem>>) src(%arg9 : memref<256x64xf32, #tpu.memory_space<vmem>>) dst(%dma_wait3A_97 : memref<10240x64xf32, #tpu.memory_space<vmem_shared>>)
      %add3A_98 = arith.constant 3 : i32
      %add3A_99 = arith.addi %mul3A_46, %add3A_98 : i32
      %min3A_100 = arith.constant 39 : i32
      %min3A_101 = arith.minsi %add3A_99, %min3A_100 : i32
      %dma_start3A_102 = arith.constant 0 : i32
      %dma_start3A_103 = tpu.memref_slice %arg6[%min3A_101, %dma_start3A_102] : memref<40x256xi32, #tpu.memory_space<vmem>> -> memref<1x256xi32, #tpu.memory_space<vmem>>
      %dma_start3A_104 = tpu.memref_squeeze %dma_start3A_103 : memref<1x256xi32, #tpu.memory_space<vmem>> -> memref<256xi32, #tpu.memory_space<vmem>>
      %dma_start3A_105 = arith.constant 0 : i32
      %dma_start3A_106 = arith.constant 0 : i32
      %dma_start3A_107 = tpu.memref_slice %arg2[%dma_start3A_105, %dma_start3A_106] : memref<10240x64xf32, #tpu.memory_space<hbm>> -> memref<10240x64xf32, #tpu.memory_space<hbm>>
      tpu.enqueue_indirect_dma source(%dma_start3A_107 : memref<10240x64xf32, #tpu.memory_space<hbm>>) target(%arg9 : memref<256x64xf32, #tpu.memory_space<vmem>>) offsets(%dma_start3A_104 : memref<256xi32, #tpu.memory_space<vmem>>) semaphore(%arg12 : memref<!tpu.dma_semaphore, #tpu.memory_space<semaphore_mem>>)
    }
    %scan3A_25 = arith.constant 20 : i32
    %dma_wait3A = arith.constant 0 : i32
    %dma_wait3A_26 = arith.constant 0 : i32
    %dma_wait3A_27 = tpu.memref_slice %arg6[%dma_wait3A, %dma_wait3A_26] : memref<40x256xi32, #tpu.memory_space<vmem>> -> memref<1x256xi32, #tpu.memory_space<vmem>>
    %dma_wait3A_28 = tpu.memref_squeeze %dma_wait3A_27 : memref<1x256xi32, #tpu.memory_space<vmem>> -> memref<256xi32, #tpu.memory_space<vmem>>
    %dma_wait3A_29 = arith.constant 0 : i32
    %dma_wait3A_30 = arith.constant 0 : i32
    %dma_wait3A_31 = tpu.memref_slice %arg2[%dma_wait3A_29, %dma_wait3A_30] : memref<10240x64xf32, #tpu.memory_space<hbm>> -> memref<10240x64xf32, #tpu.memory_space<hbm>>
    tpu.wait_indirect_dma semaphore(%arg11 : memref<!tpu.dma_semaphore, #tpu.memory_space<semaphore_mem>>) src(%dma_wait3A_31 : memref<10240x64xf32, #tpu.memory_space<hbm>>) dst(%arg8 : memref<256x64xf32, #tpu.memory_space<vmem>>)
    %dma_wait3A_32 = arith.constant 0 : i32
    %dma_wait3A_33 = arith.constant 0 : i32
    %dma_wait3A_34 = tpu.memref_slice %arg6[%dma_wait3A_32, %dma_wait3A_33] : memref<40x256xi32, #tpu.memory_space<vmem>> -> memref<1x256xi32, #tpu.memory_space<vmem>>
    %dma_wait3A_35 = tpu.memref_squeeze %dma_wait3A_34 : memref<1x256xi32, #tpu.memory_space<vmem>> -> memref<256xi32, #tpu.memory_space<vmem>>
    %dma_wait3A_36 = arith.constant 0 : i32
    %dma_wait3A_37 = arith.constant 0 : i32
    %dma_wait3A_38 = tpu.memref_slice %arg2[%dma_wait3A_36, %dma_wait3A_37] : memref<10240x64xf32, #tpu.memory_space<hbm>> -> memref<10240x64xf32, #tpu.memory_space<hbm>>
    tpu.wait_indirect_dma semaphore(%arg12 : memref<!tpu.dma_semaphore, #tpu.memory_space<semaphore_mem>>) src(%dma_wait3A_38 : memref<10240x64xf32, #tpu.memory_space<hbm>>) dst(%arg9 : memref<256x64xf32, #tpu.memory_space<vmem>>)
    %barrier3A_39 = arith.constant 0 : index
    tpu.barrier barrier_id(%barrier3A_39)
    %mul3A_40 = arith.constant 640 : i32
    %mul3A_41 = arith.muli %arg1, %mul3A_40 : i32
    %mul3A_42 = arith.constant 640 : i32
    %mul3A_43 = arith.muli %arg1, %mul3A_42 : i32
    "tpu.region"() ({
      %run_scoped3A_44 = tpu.sem_alloc : memref<!tpu.dma_semaphore, #tpu.memory_space<semaphore_mem>>
      %dma_start3A_45 = arith.constant 0 : i32
      %dma_start3A_46 = arith.constant 0 : i32
      %dma_start3A_47 = tpu.memref_slice %arg5[%arg0, %dma_start3A_45, %dma_start3A_46] : memref<2x10240x64xf32, #tpu.memory_space<hbm>> -> memref<1x10240x64xf32, #tpu.memory_space<hbm>>
      %dma_start3A_48 = tpu.memref_squeeze %dma_start3A_47 : memref<1x10240x64xf32, #tpu.memory_space<hbm>> -> memref<10240x64xf32, #tpu.memory_space<hbm>>
      %dma_start3A_49 = arith.constant 0 : i32
      %dma_start3A_50 = tpu.memref_slice %dma_start3A_48[%mul3A_43, %dma_start3A_49] : memref<10240x64xf32, #tpu.memory_space<hbm>> -> memref<640x64xf32, #tpu.memory_space<hbm>>
      %dma_start3A_51 = arith.constant 0 : i32
      %dma_start3A_52 = tpu.memref_slice %arg10[%mul3A_41, %dma_start3A_51] : memref<10240x64xf32, #tpu.memory_space<vmem_shared>> -> memref<640x64xf32, #tpu.memory_space<vmem_shared>>
      tpu.enqueue_dma source(%dma_start3A_52 : memref<640x64xf32, #tpu.memory_space<vmem_shared>>) target(%dma_start3A_50 : memref<640x64xf32, #tpu.memory_space<hbm>>) target_semaphore(%run_scoped3A_44 : memref<!tpu.dma_semaphore, #tpu.memory_space<semaphore_mem>>)
      %dma_wait3A_53 = arith.constant 0 : i32
      %dma_wait3A_54 = arith.constant 0 : i32
      %dma_wait3A_55 = tpu.memref_slice %arg5[%arg0, %dma_wait3A_53, %dma_wait3A_54] : memref<2x10240x64xf32, #tpu.memory_space<hbm>> -> memref<1x10240x64xf32, #tpu.memory_space<hbm>>
      %dma_wait3A_56 = tpu.memref_squeeze %dma_wait3A_55 : memref<1x10240x64xf32, #tpu.memory_space<hbm>> -> memref<10240x64xf32, #tpu.memory_space<hbm>>
      %dma_wait3A_57 = arith.constant 0 : i32
      %dma_wait3A_58 = tpu.memref_slice %dma_wait3A_56[%mul3A_43, %dma_wait3A_57] : memref<10240x64xf32, #tpu.memory_space<hbm>> -> memref<640x64xf32, #tpu.memory_space<hbm>>
      %dma_wait3A_59 = arith.constant 0 : i32
      %dma_wait3A_60 = tpu.memref_slice %arg10[%mul3A_41, %dma_wait3A_59] : memref<10240x64xf32, #tpu.memory_space<vmem_shared>> -> memref<640x64xf32, #tpu.memory_space<vmem_shared>>
      tpu.wait_dma2 semaphore(%run_scoped3A_44 : memref<!tpu.dma_semaphore, #tpu.memory_space<semaphore_mem>>) src(%dma_wait3A_60 : memref<640x64xf32, #tpu.memory_space<vmem_shared>>) dst(%dma_wait3A_58 : memref<640x64xf32, #tpu.memory_space<hbm>>)
      tpu.yield
    }) : () -> ()
    return
  }
}

#map = affine_map<(d0, d1) -> (0, 0)>
#map1 = affine_map<(d0, d1) -> (0, 0, 0)>
module attributes {stable_mosaic.version = 14 : i64} {
  func.func @agg(%arg0: i32, %arg1: i32, %arg2: memref<10240x32xf32, #tpu.memory_space<hbm>>, %arg3: memref<2x1280x256xi32, #tpu.memory_space<hbm>>, %arg4: memref<640x32xf32, #tpu.memory_space<hbm>>, %arg5: memref<2x10240x32xf32, #tpu.memory_space<hbm>>, %arg6: memref<40x256xi32, #tpu.memory_space<vmem>>, %arg7: memref<40x256xi32, #tpu.memory_space<vmem>>, %arg8: memref<256x32xf32, #tpu.memory_space<vmem>>, %arg9: memref<256x32xf32, #tpu.memory_space<vmem>>, %arg10: memref<10240x32xf32, #tpu.memory_space<vmem_shared>>, %arg11: memref<!tpu.dma_semaphore, #tpu.memory_space<semaphore_mem>>, %arg12: memref<!tpu.dma_semaphore, #tpu.memory_space<semaphore_mem>>, %arg13: memref<!tpu.dma_semaphore, #tpu.memory_space<semaphore_mem>>, %arg14: memref<!tpu.dma_semaphore, #tpu.memory_space<semaphore_mem>>) attributes {dimension_semantics = [#tpu.dimension_semantics<core_parallel>, #tpu.dimension_semantics<subcore_parallel>], iteration_bounds = array<i64: 2, 16>, scalar_prefetch = 0 : i64, scratch_operands = 9 : i64, tpu.core_type = #tpu.core_type<sc_vector_subcore>, window_params = [{transform_indices = #map}, {transform_indices = #map1}, {transform_indices = #map}, {transform_indices = #map1}]} {
    %mul3A = arith.constant 16 : i32
    %mul3A_0 = arith.muli %arg0, %mul3A : i32
    %add3A = arith.addi %mul3A_0, %arg1 : i32
    %mul3A_1 = arith.constant 640 : i32
    %mul3A_2 = arith.muli %arg1, %mul3A_1 : i32
    "tpu.region"() ({
      %run_scoped3A_44 = tpu.sem_alloc : memref<!tpu.dma_semaphore, #tpu.memory_space<semaphore_mem>>
      %dma_start3A_45 = arith.constant 0 : i32
      %dma_start3A_46 = tpu.memref_slice %arg10[%mul3A_2, %dma_start3A_45] : memref<10240x32xf32, #tpu.memory_space<vmem_shared>> -> memref<640x32xf32, #tpu.memory_space<vmem_shared>>
      tpu.enqueue_dma source(%arg4 : memref<640x32xf32, #tpu.memory_space<hbm>>) target(%dma_start3A_46 : memref<640x32xf32, #tpu.memory_space<vmem_shared>>) target_semaphore(%run_scoped3A_44 : memref<!tpu.dma_semaphore, #tpu.memory_space<semaphore_mem>>)
      %dma_wait3A_47 = arith.constant 0 : i32
      %dma_wait3A_48 = tpu.memref_slice %arg10[%mul3A_2, %dma_wait3A_47] : memref<10240x32xf32, #tpu.memory_space<vmem_shared>> -> memref<640x32xf32, #tpu.memory_space<vmem_shared>>
      tpu.wait_dma2 semaphore(%run_scoped3A_44 : memref<!tpu.dma_semaphore, #tpu.memory_space<semaphore_mem>>) src(%arg4 : memref<640x32xf32, #tpu.memory_space<hbm>>) dst(%dma_wait3A_48 : memref<640x32xf32, #tpu.memory_space<vmem_shared>>)
      tpu.yield
    }) : () -> ()
    %mul3A_3 = arith.constant 40 : i32
    %mul3A_4 = arith.muli %add3A, %mul3A_3 : i32
    %run_scoped3A = arith.constant 0 : i32
    "tpu.region"() ({
      %run_scoped3A_44 = tpu.sem_alloc : memref<!tpu.dma_semaphore, #tpu.memory_space<semaphore_mem>>
      %dma_start3A_45 = arith.constant 0 : i32
      %dma_start3A_46 = arith.constant 0 : i32
      %dma_start3A_47 = tpu.memref_slice %arg3[%run_scoped3A, %dma_start3A_45, %dma_start3A_46] : memref<2x1280x256xi32, #tpu.memory_space<hbm>> -> memref<1x1280x256xi32, #tpu.memory_space<hbm>>
      %dma_start3A_48 = tpu.memref_squeeze %dma_start3A_47 : memref<1x1280x256xi32, #tpu.memory_space<hbm>> -> memref<1280x256xi32, #tpu.memory_space<hbm>>
      %dma_start3A_49 = arith.constant 0 : i32
      %dma_start3A_50 = tpu.memref_slice %dma_start3A_48[%mul3A_4, %dma_start3A_49] : memref<1280x256xi32, #tpu.memory_space<hbm>> -> memref<40x256xi32, #tpu.memory_space<hbm>>
      %dma_start3A_51 = arith.constant 0 : i32
      %dma_start3A_52 = arith.constant 0 : i32
      %dma_start3A_53 = tpu.memref_slice %arg3[%run_scoped3A, %dma_start3A_51, %dma_start3A_52] : memref<2x1280x256xi32, #tpu.memory_space<hbm>> -> memref<1x1280x256xi32, #tpu.memory_space<hbm>>
      %dma_start3A_54 = tpu.memref_squeeze %dma_start3A_53 : memref<1x1280x256xi32, #tpu.memory_space<hbm>> -> memref<1280x256xi32, #tpu.memory_space<hbm>>
      %dma_start3A_55 = arith.constant 0 : i32
      %dma_start3A_56 = tpu.memref_slice %dma_start3A_54[%mul3A_4, %dma_start3A_55] : memref<1280x256xi32, #tpu.memory_space<hbm>> -> memref<40x256xi32, #tpu.memory_space<hbm>>
      tpu.enqueue_dma source(%dma_start3A_56 : memref<40x256xi32, #tpu.memory_space<hbm>>) target(%arg6 : memref<40x256xi32, #tpu.memory_space<vmem>>) target_semaphore(%run_scoped3A_44 : memref<!tpu.dma_semaphore, #tpu.memory_space<semaphore_mem>>)
      %dma_wait3A_57 = arith.constant 0 : i32
      %dma_wait3A_58 = arith.constant 0 : i32
      %dma_wait3A_59 = tpu.memref_slice %arg3[%run_scoped3A, %dma_wait3A_57, %dma_wait3A_58] : memref<2x1280x256xi32, #tpu.memory_space<hbm>> -> memref<1x1280x256xi32, #tpu.memory_space<hbm>>
      %dma_wait3A_60 = tpu.memref_squeeze %dma_wait3A_59 : memref<1x1280x256xi32, #tpu.memory_space<hbm>> -> memref<1280x256xi32, #tpu.memory_space<hbm>>
      %dma_wait3A_61 = arith.constant 0 : i32
      %dma_wait3A_62 = tpu.memref_slice %dma_wait3A_60[%mul3A_4, %dma_wait3A_61] : memref<1280x256xi32, #tpu.memory_space<hbm>> -> memref<40x256xi32, #tpu.memory_space<hbm>>
      %dma_wait3A_63 = arith.constant 0 : i32
      %dma_wait3A_64 = arith.constant 0 : i32
      %dma_wait3A_65 = tpu.memref_slice %arg3[%run_scoped3A, %dma_wait3A_63, %dma_wait3A_64] : memref<2x1280x256xi32, #tpu.memory_space<hbm>> -> memref<1x1280x256xi32, #tpu.memory_space<hbm>>
      %dma_wait3A_66 = tpu.memref_squeeze %dma_wait3A_65 : memref<1x1280x256xi32, #tpu.memory_space<hbm>> -> memref<1280x256xi32, #tpu.memory_space<hbm>>
      %dma_wait3A_67 = arith.constant 0 : i32
      %dma_wait3A_68 = tpu.memref_slice %dma_wait3A_66[%mul3A_4, %dma_wait3A_67] : memref<1280x256xi32, #tpu.memory_space<hbm>> -> memref<40x256xi32, #tpu.memory_space<hbm>>
      tpu.wait_dma2 semaphore(%run_scoped3A_44 : memref<!tpu.dma_semaphore, #tpu.memory_space<semaphore_mem>>) src(%dma_wait3A_68 : memref<40x256xi32, #tpu.memory_space<hbm>>) dst(%arg6 : memref<40x256xi32, #tpu.memory_space<vmem>>)
      tpu.yield
    }) : () -> ()
    %mul3A_5 = arith.constant 40 : i32
    %mul3A_6 = arith.muli %add3A, %mul3A_5 : i32
    %run_scoped3A_7 = arith.constant 1 : i32
    "tpu.region"() ({
      %run_scoped3A_44 = tpu.sem_alloc : memref<!tpu.dma_semaphore, #tpu.memory_space<semaphore_mem>>
      %dma_start3A_45 = arith.constant 0 : i32
      %dma_start3A_46 = arith.constant 0 : i32
      %dma_start3A_47 = tpu.memref_slice %arg3[%run_scoped3A_7, %dma_start3A_45, %dma_start3A_46] : memref<2x1280x256xi32, #tpu.memory_space<hbm>> -> memref<1x1280x256xi32, #tpu.memory_space<hbm>>
      %dma_start3A_48 = tpu.memref_squeeze %dma_start3A_47 : memref<1x1280x256xi32, #tpu.memory_space<hbm>> -> memref<1280x256xi32, #tpu.memory_space<hbm>>
      %dma_start3A_49 = arith.constant 0 : i32
      %dma_start3A_50 = tpu.memref_slice %dma_start3A_48[%mul3A_6, %dma_start3A_49] : memref<1280x256xi32, #tpu.memory_space<hbm>> -> memref<40x256xi32, #tpu.memory_space<hbm>>
      %dma_start3A_51 = arith.constant 0 : i32
      %dma_start3A_52 = arith.constant 0 : i32
      %dma_start3A_53 = tpu.memref_slice %arg3[%run_scoped3A_7, %dma_start3A_51, %dma_start3A_52] : memref<2x1280x256xi32, #tpu.memory_space<hbm>> -> memref<1x1280x256xi32, #tpu.memory_space<hbm>>
      %dma_start3A_54 = tpu.memref_squeeze %dma_start3A_53 : memref<1x1280x256xi32, #tpu.memory_space<hbm>> -> memref<1280x256xi32, #tpu.memory_space<hbm>>
      %dma_start3A_55 = arith.constant 0 : i32
      %dma_start3A_56 = tpu.memref_slice %dma_start3A_54[%mul3A_6, %dma_start3A_55] : memref<1280x256xi32, #tpu.memory_space<hbm>> -> memref<40x256xi32, #tpu.memory_space<hbm>>
      tpu.enqueue_dma source(%dma_start3A_56 : memref<40x256xi32, #tpu.memory_space<hbm>>) target(%arg7 : memref<40x256xi32, #tpu.memory_space<vmem>>) target_semaphore(%run_scoped3A_44 : memref<!tpu.dma_semaphore, #tpu.memory_space<semaphore_mem>>)
      %dma_wait3A_57 = arith.constant 0 : i32
      %dma_wait3A_58 = arith.constant 0 : i32
      %dma_wait3A_59 = tpu.memref_slice %arg3[%run_scoped3A_7, %dma_wait3A_57, %dma_wait3A_58] : memref<2x1280x256xi32, #tpu.memory_space<hbm>> -> memref<1x1280x256xi32, #tpu.memory_space<hbm>>
      %dma_wait3A_60 = tpu.memref_squeeze %dma_wait3A_59 : memref<1x1280x256xi32, #tpu.memory_space<hbm>> -> memref<1280x256xi32, #tpu.memory_space<hbm>>
      %dma_wait3A_61 = arith.constant 0 : i32
      %dma_wait3A_62 = tpu.memref_slice %dma_wait3A_60[%mul3A_6, %dma_wait3A_61] : memref<1280x256xi32, #tpu.memory_space<hbm>> -> memref<40x256xi32, #tpu.memory_space<hbm>>
      %dma_wait3A_63 = arith.constant 0 : i32
      %dma_wait3A_64 = arith.constant 0 : i32
      %dma_wait3A_65 = tpu.memref_slice %arg3[%run_scoped3A_7, %dma_wait3A_63, %dma_wait3A_64] : memref<2x1280x256xi32, #tpu.memory_space<hbm>> -> memref<1x1280x256xi32, #tpu.memory_space<hbm>>
      %dma_wait3A_66 = tpu.memref_squeeze %dma_wait3A_65 : memref<1x1280x256xi32, #tpu.memory_space<hbm>> -> memref<1280x256xi32, #tpu.memory_space<hbm>>
      %dma_wait3A_67 = arith.constant 0 : i32
      %dma_wait3A_68 = tpu.memref_slice %dma_wait3A_66[%mul3A_6, %dma_wait3A_67] : memref<1280x256xi32, #tpu.memory_space<hbm>> -> memref<40x256xi32, #tpu.memory_space<hbm>>
      tpu.wait_dma2 semaphore(%run_scoped3A_44 : memref<!tpu.dma_semaphore, #tpu.memory_space<semaphore_mem>>) src(%dma_wait3A_68 : memref<40x256xi32, #tpu.memory_space<hbm>>) dst(%arg7 : memref<40x256xi32, #tpu.memory_space<vmem>>)
      tpu.yield
    }) : () -> ()
    %barrier3A = arith.constant 0 : index
    tpu.barrier barrier_id(%barrier3A)
    %dma_start3A = arith.constant 0 : i32
    %dma_start3A_8 = arith.constant 0 : i32
    %dma_start3A_9 = tpu.memref_slice %arg6[%dma_start3A, %dma_start3A_8] : memref<40x256xi32, #tpu.memory_space<vmem>> -> memref<1x256xi32, #tpu.memory_space<vmem>>
    %dma_start3A_10 = tpu.memref_squeeze %dma_start3A_9 : memref<1x256xi32, #tpu.memory_space<vmem>> -> memref<256xi32, #tpu.memory_space<vmem>>
    %dma_start3A_11 = arith.constant 0 : i32
    %dma_start3A_12 = arith.constant 0 : i32
    %dma_start3A_13 = tpu.memref_slice %arg2[%dma_start3A_11, %dma_start3A_12] : memref<10240x32xf32, #tpu.memory_space<hbm>> -> memref<10240x32xf32, #tpu.memory_space<hbm>>
    tpu.enqueue_indirect_dma source(%dma_start3A_13 : memref<10240x32xf32, #tpu.memory_space<hbm>>) target(%arg8 : memref<256x32xf32, #tpu.memory_space<vmem>>) offsets(%dma_start3A_10 : memref<256xi32, #tpu.memory_space<vmem>>) semaphore(%arg11 : memref<!tpu.dma_semaphore, #tpu.memory_space<semaphore_mem>>)
    %dma_start3A_14 = arith.constant 1 : i32
    %dma_start3A_15 = arith.constant 0 : i32
    %dma_start3A_16 = tpu.memref_slice %arg6[%dma_start3A_14, %dma_start3A_15] : memref<40x256xi32, #tpu.memory_space<vmem>> -> memref<1x256xi32, #tpu.memory_space<vmem>>
    %dma_start3A_17 = tpu.memref_squeeze %dma_start3A_16 : memref<1x256xi32, #tpu.memory_space<vmem>> -> memref<256xi32, #tpu.memory_space<vmem>>
    %dma_start3A_18 = arith.constant 0 : i32
    %dma_start3A_19 = arith.constant 0 : i32
    %dma_start3A_20 = tpu.memref_slice %arg2[%dma_start3A_18, %dma_start3A_19] : memref<10240x32xf32, #tpu.memory_space<hbm>> -> memref<10240x32xf32, #tpu.memory_space<hbm>>
    tpu.enqueue_indirect_dma source(%dma_start3A_20 : memref<10240x32xf32, #tpu.memory_space<hbm>>) target(%arg9 : memref<256x32xf32, #tpu.memory_space<vmem>>) offsets(%dma_start3A_17 : memref<256xi32, #tpu.memory_space<vmem>>) semaphore(%arg12 : memref<!tpu.dma_semaphore, #tpu.memory_space<semaphore_mem>>)
    %scan3A = arith.constant 0 : i32
    %scan3A_21 = arith.constant 0 : i32
    %scan3A_22 = arith.constant 20 : i32
    %scan3A_23 = arith.addi %scan3A_21, %scan3A_22 : i32
    %scan3A_24 = arith.constant 1 : i32
    scf.for %scan3A_44 = %scan3A_21 to %scan3A_23 step %scan3A_24  : i32 {
      %mul3A_45 = arith.constant 2 : i32
      %mul3A_46 = arith.muli %mul3A_45, %scan3A_44 : i32
      %dma_wait3A_47 = arith.constant 0 : i32
      %dma_wait3A_48 = arith.constant 0 : i32
      %dma_wait3A_49 = tpu.memref_slice %arg6[%dma_wait3A_47, %dma_wait3A_48] : memref<40x256xi32, #tpu.memory_space<vmem>> -> memref<1x256xi32, #tpu.memory_space<vmem>>
      %dma_wait3A_50 = tpu.memref_squeeze %dma_wait3A_49 : memref<1x256xi32, #tpu.memory_space<vmem>> -> memref<256xi32, #tpu.memory_space<vmem>>
      %dma_wait3A_51 = arith.constant 0 : i32
      %dma_wait3A_52 = arith.constant 0 : i32
      %dma_wait3A_53 = tpu.memref_slice %arg2[%dma_wait3A_51, %dma_wait3A_52] : memref<10240x32xf32, #tpu.memory_space<hbm>> -> memref<10240x32xf32, #tpu.memory_space<hbm>>
      tpu.wait_indirect_dma semaphore(%arg11 : memref<!tpu.dma_semaphore, #tpu.memory_space<semaphore_mem>>) src(%dma_wait3A_53 : memref<10240x32xf32, #tpu.memory_space<hbm>>) dst(%arg8 : memref<256x32xf32, #tpu.memory_space<vmem>>)
      %dma_start3A_54 = arith.constant 0 : i32
      %dma_start3A_55 = tpu.memref_slice %arg7[%mul3A_46, %dma_start3A_54] : memref<40x256xi32, #tpu.memory_space<vmem>> -> memref<1x256xi32, #tpu.memory_space<vmem>>
      %dma_start3A_56 = tpu.memref_squeeze %dma_start3A_55 : memref<1x256xi32, #tpu.memory_space<vmem>> -> memref<256xi32, #tpu.memory_space<vmem>>
      %dma_start3A_57 = arith.constant 0 : i32
      %dma_start3A_58 = arith.constant 0 : i32
      %dma_start3A_59 = tpu.memref_slice %arg10[%dma_start3A_57, %dma_start3A_58] : memref<10240x32xf32, #tpu.memory_space<vmem_shared>> -> memref<10240x32xf32, #tpu.memory_space<vmem_shared>>
      tpu.enqueue_indirect_dma source(%arg8 : memref<256x32xf32, #tpu.memory_space<vmem>>) target(%dma_start3A_59 : memref<10240x32xf32, #tpu.memory_space<vmem_shared>>) offsets(%dma_start3A_56 : memref<256xi32, #tpu.memory_space<vmem>>) semaphore(%arg13 : memref<!tpu.dma_semaphore, #tpu.memory_space<semaphore_mem>>) {add = true}
      %dma_wait3A_60 = arith.constant 0 : i32
      %dma_wait3A_61 = arith.constant 0 : i32
      %dma_wait3A_62 = tpu.memref_slice %arg6[%dma_wait3A_60, %dma_wait3A_61] : memref<40x256xi32, #tpu.memory_space<vmem>> -> memref<1x256xi32, #tpu.memory_space<vmem>>
      %dma_wait3A_63 = tpu.memref_squeeze %dma_wait3A_62 : memref<1x256xi32, #tpu.memory_space<vmem>> -> memref<256xi32, #tpu.memory_space<vmem>>
      %dma_wait3A_64 = arith.constant 0 : i32
      %dma_wait3A_65 = arith.constant 0 : i32
      %dma_wait3A_66 = tpu.memref_slice %arg2[%dma_wait3A_64, %dma_wait3A_65] : memref<10240x32xf32, #tpu.memory_space<hbm>> -> memref<10240x32xf32, #tpu.memory_space<hbm>>
      tpu.wait_indirect_dma semaphore(%arg12 : memref<!tpu.dma_semaphore, #tpu.memory_space<semaphore_mem>>) src(%dma_wait3A_66 : memref<10240x32xf32, #tpu.memory_space<hbm>>) dst(%arg9 : memref<256x32xf32, #tpu.memory_space<vmem>>)
      %add3A_67 = arith.constant 1 : i32
      %add3A_68 = arith.addi %mul3A_46, %add3A_67 : i32
      %dma_start3A_69 = arith.constant 0 : i32
      %dma_start3A_70 = tpu.memref_slice %arg7[%add3A_68, %dma_start3A_69] : memref<40x256xi32, #tpu.memory_space<vmem>> -> memref<1x256xi32, #tpu.memory_space<vmem>>
      %dma_start3A_71 = tpu.memref_squeeze %dma_start3A_70 : memref<1x256xi32, #tpu.memory_space<vmem>> -> memref<256xi32, #tpu.memory_space<vmem>>
      %dma_start3A_72 = arith.constant 0 : i32
      %dma_start3A_73 = arith.constant 0 : i32
      %dma_start3A_74 = tpu.memref_slice %arg10[%dma_start3A_72, %dma_start3A_73] : memref<10240x32xf32, #tpu.memory_space<vmem_shared>> -> memref<10240x32xf32, #tpu.memory_space<vmem_shared>>
      tpu.enqueue_indirect_dma source(%arg9 : memref<256x32xf32, #tpu.memory_space<vmem>>) target(%dma_start3A_74 : memref<10240x32xf32, #tpu.memory_space<vmem_shared>>) offsets(%dma_start3A_71 : memref<256xi32, #tpu.memory_space<vmem>>) semaphore(%arg14 : memref<!tpu.dma_semaphore, #tpu.memory_space<semaphore_mem>>) {add = true}
      %dma_wait3A_75 = arith.constant 0 : i32
      %dma_wait3A_76 = arith.constant 0 : i32
      %dma_wait3A_77 = tpu.memref_slice %arg7[%dma_wait3A_75, %dma_wait3A_76] : memref<40x256xi32, #tpu.memory_space<vmem>> -> memref<1x256xi32, #tpu.memory_space<vmem>>
      %dma_wait3A_78 = tpu.memref_squeeze %dma_wait3A_77 : memref<1x256xi32, #tpu.memory_space<vmem>> -> memref<256xi32, #tpu.memory_space<vmem>>
      %dma_wait3A_79 = arith.constant 0 : i32
      %dma_wait3A_80 = arith.constant 0 : i32
      %dma_wait3A_81 = tpu.memref_slice %arg10[%dma_wait3A_79, %dma_wait3A_80] : memref<10240x32xf32, #tpu.memory_space<vmem_shared>> -> memref<10240x32xf32, #tpu.memory_space<vmem_shared>>
      tpu.wait_indirect_dma semaphore(%arg13 : memref<!tpu.dma_semaphore, #tpu.memory_space<semaphore_mem>>) src(%arg8 : memref<256x32xf32, #tpu.memory_space<vmem>>) dst(%dma_wait3A_81 : memref<10240x32xf32, #tpu.memory_space<vmem_shared>>)
      %add3A_82 = arith.constant 2 : i32
      %add3A_83 = arith.addi %mul3A_46, %add3A_82 : i32
      %min3A = arith.constant 38 : i32
      %min3A_84 = arith.minsi %add3A_83, %min3A : i32
      %dma_start3A_85 = arith.constant 0 : i32
      %dma_start3A_86 = tpu.memref_slice %arg6[%min3A_84, %dma_start3A_85] : memref<40x256xi32, #tpu.memory_space<vmem>> -> memref<1x256xi32, #tpu.memory_space<vmem>>
      %dma_start3A_87 = tpu.memref_squeeze %dma_start3A_86 : memref<1x256xi32, #tpu.memory_space<vmem>> -> memref<256xi32, #tpu.memory_space<vmem>>
      %dma_start3A_88 = arith.constant 0 : i32
      %dma_start3A_89 = arith.constant 0 : i32
      %dma_start3A_90 = tpu.memref_slice %arg2[%dma_start3A_88, %dma_start3A_89] : memref<10240x32xf32, #tpu.memory_space<hbm>> -> memref<10240x32xf32, #tpu.memory_space<hbm>>
      tpu.enqueue_indirect_dma source(%dma_start3A_90 : memref<10240x32xf32, #tpu.memory_space<hbm>>) target(%arg8 : memref<256x32xf32, #tpu.memory_space<vmem>>) offsets(%dma_start3A_87 : memref<256xi32, #tpu.memory_space<vmem>>) semaphore(%arg11 : memref<!tpu.dma_semaphore, #tpu.memory_space<semaphore_mem>>)
      %dma_wait3A_91 = arith.constant 0 : i32
      %dma_wait3A_92 = arith.constant 0 : i32
      %dma_wait3A_93 = tpu.memref_slice %arg7[%dma_wait3A_91, %dma_wait3A_92] : memref<40x256xi32, #tpu.memory_space<vmem>> -> memref<1x256xi32, #tpu.memory_space<vmem>>
      %dma_wait3A_94 = tpu.memref_squeeze %dma_wait3A_93 : memref<1x256xi32, #tpu.memory_space<vmem>> -> memref<256xi32, #tpu.memory_space<vmem>>
      %dma_wait3A_95 = arith.constant 0 : i32
      %dma_wait3A_96 = arith.constant 0 : i32
      %dma_wait3A_97 = tpu.memref_slice %arg10[%dma_wait3A_95, %dma_wait3A_96] : memref<10240x32xf32, #tpu.memory_space<vmem_shared>> -> memref<10240x32xf32, #tpu.memory_space<vmem_shared>>
      tpu.wait_indirect_dma semaphore(%arg14 : memref<!tpu.dma_semaphore, #tpu.memory_space<semaphore_mem>>) src(%arg9 : memref<256x32xf32, #tpu.memory_space<vmem>>) dst(%dma_wait3A_97 : memref<10240x32xf32, #tpu.memory_space<vmem_shared>>)
      %add3A_98 = arith.constant 3 : i32
      %add3A_99 = arith.addi %mul3A_46, %add3A_98 : i32
      %min3A_100 = arith.constant 39 : i32
      %min3A_101 = arith.minsi %add3A_99, %min3A_100 : i32
      %dma_start3A_102 = arith.constant 0 : i32
      %dma_start3A_103 = tpu.memref_slice %arg6[%min3A_101, %dma_start3A_102] : memref<40x256xi32, #tpu.memory_space<vmem>> -> memref<1x256xi32, #tpu.memory_space<vmem>>
      %dma_start3A_104 = tpu.memref_squeeze %dma_start3A_103 : memref<1x256xi32, #tpu.memory_space<vmem>> -> memref<256xi32, #tpu.memory_space<vmem>>
      %dma_start3A_105 = arith.constant 0 : i32
      %dma_start3A_106 = arith.constant 0 : i32
      %dma_start3A_107 = tpu.memref_slice %arg2[%dma_start3A_105, %dma_start3A_106] : memref<10240x32xf32, #tpu.memory_space<hbm>> -> memref<10240x32xf32, #tpu.memory_space<hbm>>
      tpu.enqueue_indirect_dma source(%dma_start3A_107 : memref<10240x32xf32, #tpu.memory_space<hbm>>) target(%arg9 : memref<256x32xf32, #tpu.memory_space<vmem>>) offsets(%dma_start3A_104 : memref<256xi32, #tpu.memory_space<vmem>>) semaphore(%arg12 : memref<!tpu.dma_semaphore, #tpu.memory_space<semaphore_mem>>)
    }
    %scan3A_25 = arith.constant 20 : i32
    %dma_wait3A = arith.constant 0 : i32
    %dma_wait3A_26 = arith.constant 0 : i32
    %dma_wait3A_27 = tpu.memref_slice %arg6[%dma_wait3A, %dma_wait3A_26] : memref<40x256xi32, #tpu.memory_space<vmem>> -> memref<1x256xi32, #tpu.memory_space<vmem>>
    %dma_wait3A_28 = tpu.memref_squeeze %dma_wait3A_27 : memref<1x256xi32, #tpu.memory_space<vmem>> -> memref<256xi32, #tpu.memory_space<vmem>>
    %dma_wait3A_29 = arith.constant 0 : i32
    %dma_wait3A_30 = arith.constant 0 : i32
    %dma_wait3A_31 = tpu.memref_slice %arg2[%dma_wait3A_29, %dma_wait3A_30] : memref<10240x32xf32, #tpu.memory_space<hbm>> -> memref<10240x32xf32, #tpu.memory_space<hbm>>
    tpu.wait_indirect_dma semaphore(%arg11 : memref<!tpu.dma_semaphore, #tpu.memory_space<semaphore_mem>>) src(%dma_wait3A_31 : memref<10240x32xf32, #tpu.memory_space<hbm>>) dst(%arg8 : memref<256x32xf32, #tpu.memory_space<vmem>>)
    %dma_wait3A_32 = arith.constant 0 : i32
    %dma_wait3A_33 = arith.constant 0 : i32
    %dma_wait3A_34 = tpu.memref_slice %arg6[%dma_wait3A_32, %dma_wait3A_33] : memref<40x256xi32, #tpu.memory_space<vmem>> -> memref<1x256xi32, #tpu.memory_space<vmem>>
    %dma_wait3A_35 = tpu.memref_squeeze %dma_wait3A_34 : memref<1x256xi32, #tpu.memory_space<vmem>> -> memref<256xi32, #tpu.memory_space<vmem>>
    %dma_wait3A_36 = arith.constant 0 : i32
    %dma_wait3A_37 = arith.constant 0 : i32
    %dma_wait3A_38 = tpu.memref_slice %arg2[%dma_wait3A_36, %dma_wait3A_37] : memref<10240x32xf32, #tpu.memory_space<hbm>> -> memref<10240x32xf32, #tpu.memory_space<hbm>>
    tpu.wait_indirect_dma semaphore(%arg12 : memref<!tpu.dma_semaphore, #tpu.memory_space<semaphore_mem>>) src(%dma_wait3A_38 : memref<10240x32xf32, #tpu.memory_space<hbm>>) dst(%arg9 : memref<256x32xf32, #tpu.memory_space<vmem>>)
    %barrier3A_39 = arith.constant 0 : index
    tpu.barrier barrier_id(%barrier3A_39)
    %mul3A_40 = arith.constant 640 : i32
    %mul3A_41 = arith.muli %arg1, %mul3A_40 : i32
    %mul3A_42 = arith.constant 640 : i32
    %mul3A_43 = arith.muli %arg1, %mul3A_42 : i32
    "tpu.region"() ({
      %run_scoped3A_44 = tpu.sem_alloc : memref<!tpu.dma_semaphore, #tpu.memory_space<semaphore_mem>>
      %dma_start3A_45 = arith.constant 0 : i32
      %dma_start3A_46 = arith.constant 0 : i32
      %dma_start3A_47 = tpu.memref_slice %arg5[%arg0, %dma_start3A_45, %dma_start3A_46] : memref<2x10240x32xf32, #tpu.memory_space<hbm>> -> memref<1x10240x32xf32, #tpu.memory_space<hbm>>
      %dma_start3A_48 = tpu.memref_squeeze %dma_start3A_47 : memref<1x10240x32xf32, #tpu.memory_space<hbm>> -> memref<10240x32xf32, #tpu.memory_space<hbm>>
      %dma_start3A_49 = arith.constant 0 : i32
      %dma_start3A_50 = tpu.memref_slice %dma_start3A_48[%mul3A_43, %dma_start3A_49] : memref<10240x32xf32, #tpu.memory_space<hbm>> -> memref<640x32xf32, #tpu.memory_space<hbm>>
      %dma_start3A_51 = arith.constant 0 : i32
      %dma_start3A_52 = tpu.memref_slice %arg10[%mul3A_41, %dma_start3A_51] : memref<10240x32xf32, #tpu.memory_space<vmem_shared>> -> memref<640x32xf32, #tpu.memory_space<vmem_shared>>
      tpu.enqueue_dma source(%dma_start3A_52 : memref<640x32xf32, #tpu.memory_space<vmem_shared>>) target(%dma_start3A_50 : memref<640x32xf32, #tpu.memory_space<hbm>>) target_semaphore(%run_scoped3A_44 : memref<!tpu.dma_semaphore, #tpu.memory_space<semaphore_mem>>)
      %dma_wait3A_53 = arith.constant 0 : i32
      %dma_wait3A_54 = arith.constant 0 : i32
      %dma_wait3A_55 = tpu.memref_slice %arg5[%arg0, %dma_wait3A_53, %dma_wait3A_54] : memref<2x10240x32xf32, #tpu.memory_space<hbm>> -> memref<1x10240x32xf32, #tpu.memory_space<hbm>>
      %dma_wait3A_56 = tpu.memref_squeeze %dma_wait3A_55 : memref<1x10240x32xf32, #tpu.memory_space<hbm>> -> memref<10240x32xf32, #tpu.memory_space<hbm>>
      %dma_wait3A_57 = arith.constant 0 : i32
      %dma_wait3A_58 = tpu.memref_slice %dma_wait3A_56[%mul3A_43, %dma_wait3A_57] : memref<10240x32xf32, #tpu.memory_space<hbm>> -> memref<640x32xf32, #tpu.memory_space<hbm>>
      %dma_wait3A_59 = arith.constant 0 : i32
      %dma_wait3A_60 = tpu.memref_slice %arg10[%mul3A_41, %dma_wait3A_59] : memref<10240x32xf32, #tpu.memory_space<vmem_shared>> -> memref<640x32xf32, #tpu.memory_space<vmem_shared>>
      tpu.wait_dma2 semaphore(%run_scoped3A_44 : memref<!tpu.dma_semaphore, #tpu.memory_space<semaphore_mem>>) src(%dma_wait3A_60 : memref<640x32xf32, #tpu.memory_space<vmem_shared>>) dst(%dma_wait3A_58 : memref<640x32xf32, #tpu.memory_space<hbm>>)
      tpu.yield
    }) : () -> ()
    return
  }
}

#map = affine_map<(d0, d1) -> (0, 0)>
#map1 = affine_map<(d0, d1) -> (0, 0, 0)>
module attributes {stable_mosaic.version = 14 : i64} {
  func.func @agg(%arg0: i32, %arg1: i32, %arg2: memref<10240x64xf32, #tpu.memory_space<hbm>>, %arg3: memref<2x1280x256xi32, #tpu.memory_space<hbm>>, %arg4: memref<640x64xf32, #tpu.memory_space<hbm>>, %arg5: memref<2x10240x64xf32, #tpu.memory_space<hbm>>, %arg6: memref<40x256xi32, #tpu.memory_space<vmem>>, %arg7: memref<40x256xi32, #tpu.memory_space<vmem>>, %arg8: memref<256x64xf32, #tpu.memory_space<vmem>>, %arg9: memref<256x64xf32, #tpu.memory_space<vmem>>, %arg10: memref<10240x64xf32, #tpu.memory_space<vmem_shared>>, %arg11: memref<!tpu.dma_semaphore, #tpu.memory_space<semaphore_mem>>, %arg12: memref<!tpu.dma_semaphore, #tpu.memory_space<semaphore_mem>>, %arg13: memref<!tpu.dma_semaphore, #tpu.memory_space<semaphore_mem>>, %arg14: memref<!tpu.dma_semaphore, #tpu.memory_space<semaphore_mem>>) attributes {dimension_semantics = [#tpu.dimension_semantics<core_parallel>, #tpu.dimension_semantics<subcore_parallel>], iteration_bounds = array<i64: 2, 16>, scalar_prefetch = 0 : i64, scratch_operands = 9 : i64, tpu.core_type = #tpu.core_type<sc_vector_subcore>, window_params = [{transform_indices = #map}, {transform_indices = #map1}, {transform_indices = #map}, {transform_indices = #map1}]} {
    %mul3A = arith.constant 16 : i32
    %mul3A_0 = arith.muli %arg0, %mul3A : i32
    %add3A = arith.addi %mul3A_0, %arg1 : i32
    %mul3A_1 = arith.constant 640 : i32
    %mul3A_2 = arith.muli %arg1, %mul3A_1 : i32
    "tpu.region"() ({
      %run_scoped3A_44 = tpu.sem_alloc : memref<!tpu.dma_semaphore, #tpu.memory_space<semaphore_mem>>
      %dma_start3A_45 = arith.constant 0 : i32
      %dma_start3A_46 = tpu.memref_slice %arg10[%mul3A_2, %dma_start3A_45] : memref<10240x64xf32, #tpu.memory_space<vmem_shared>> -> memref<640x64xf32, #tpu.memory_space<vmem_shared>>
      tpu.enqueue_dma source(%arg4 : memref<640x64xf32, #tpu.memory_space<hbm>>) target(%dma_start3A_46 : memref<640x64xf32, #tpu.memory_space<vmem_shared>>) target_semaphore(%run_scoped3A_44 : memref<!tpu.dma_semaphore, #tpu.memory_space<semaphore_mem>>)
      %dma_wait3A_47 = arith.constant 0 : i32
      %dma_wait3A_48 = tpu.memref_slice %arg10[%mul3A_2, %dma_wait3A_47] : memref<10240x64xf32, #tpu.memory_space<vmem_shared>> -> memref<640x64xf32, #tpu.memory_space<vmem_shared>>
      tpu.wait_dma2 semaphore(%run_scoped3A_44 : memref<!tpu.dma_semaphore, #tpu.memory_space<semaphore_mem>>) src(%arg4 : memref<640x64xf32, #tpu.memory_space<hbm>>) dst(%dma_wait3A_48 : memref<640x64xf32, #tpu.memory_space<vmem_shared>>)
      tpu.yield
    }) : () -> ()
    %mul3A_3 = arith.constant 40 : i32
    %mul3A_4 = arith.muli %add3A, %mul3A_3 : i32
    %run_scoped3A = arith.constant 0 : i32
    "tpu.region"() ({
      %run_scoped3A_44 = tpu.sem_alloc : memref<!tpu.dma_semaphore, #tpu.memory_space<semaphore_mem>>
      %dma_start3A_45 = arith.constant 0 : i32
      %dma_start3A_46 = arith.constant 0 : i32
      %dma_start3A_47 = tpu.memref_slice %arg3[%run_scoped3A, %dma_start3A_45, %dma_start3A_46] : memref<2x1280x256xi32, #tpu.memory_space<hbm>> -> memref<1x1280x256xi32, #tpu.memory_space<hbm>>
      %dma_start3A_48 = tpu.memref_squeeze %dma_start3A_47 : memref<1x1280x256xi32, #tpu.memory_space<hbm>> -> memref<1280x256xi32, #tpu.memory_space<hbm>>
      %dma_start3A_49 = arith.constant 0 : i32
      %dma_start3A_50 = tpu.memref_slice %dma_start3A_48[%mul3A_4, %dma_start3A_49] : memref<1280x256xi32, #tpu.memory_space<hbm>> -> memref<40x256xi32, #tpu.memory_space<hbm>>
      %dma_start3A_51 = arith.constant 0 : i32
      %dma_start3A_52 = arith.constant 0 : i32
      %dma_start3A_53 = tpu.memref_slice %arg3[%run_scoped3A, %dma_start3A_51, %dma_start3A_52] : memref<2x1280x256xi32, #tpu.memory_space<hbm>> -> memref<1x1280x256xi32, #tpu.memory_space<hbm>>
      %dma_start3A_54 = tpu.memref_squeeze %dma_start3A_53 : memref<1x1280x256xi32, #tpu.memory_space<hbm>> -> memref<1280x256xi32, #tpu.memory_space<hbm>>
      %dma_start3A_55 = arith.constant 0 : i32
      %dma_start3A_56 = tpu.memref_slice %dma_start3A_54[%mul3A_4, %dma_start3A_55] : memref<1280x256xi32, #tpu.memory_space<hbm>> -> memref<40x256xi32, #tpu.memory_space<hbm>>
      tpu.enqueue_dma source(%dma_start3A_56 : memref<40x256xi32, #tpu.memory_space<hbm>>) target(%arg6 : memref<40x256xi32, #tpu.memory_space<vmem>>) target_semaphore(%run_scoped3A_44 : memref<!tpu.dma_semaphore, #tpu.memory_space<semaphore_mem>>)
      %dma_wait3A_57 = arith.constant 0 : i32
      %dma_wait3A_58 = arith.constant 0 : i32
      %dma_wait3A_59 = tpu.memref_slice %arg3[%run_scoped3A, %dma_wait3A_57, %dma_wait3A_58] : memref<2x1280x256xi32, #tpu.memory_space<hbm>> -> memref<1x1280x256xi32, #tpu.memory_space<hbm>>
      %dma_wait3A_60 = tpu.memref_squeeze %dma_wait3A_59 : memref<1x1280x256xi32, #tpu.memory_space<hbm>> -> memref<1280x256xi32, #tpu.memory_space<hbm>>
      %dma_wait3A_61 = arith.constant 0 : i32
      %dma_wait3A_62 = tpu.memref_slice %dma_wait3A_60[%mul3A_4, %dma_wait3A_61] : memref<1280x256xi32, #tpu.memory_space<hbm>> -> memref<40x256xi32, #tpu.memory_space<hbm>>
      %dma_wait3A_63 = arith.constant 0 : i32
      %dma_wait3A_64 = arith.constant 0 : i32
      %dma_wait3A_65 = tpu.memref_slice %arg3[%run_scoped3A, %dma_wait3A_63, %dma_wait3A_64] : memref<2x1280x256xi32, #tpu.memory_space<hbm>> -> memref<1x1280x256xi32, #tpu.memory_space<hbm>>
      %dma_wait3A_66 = tpu.memref_squeeze %dma_wait3A_65 : memref<1x1280x256xi32, #tpu.memory_space<hbm>> -> memref<1280x256xi32, #tpu.memory_space<hbm>>
      %dma_wait3A_67 = arith.constant 0 : i32
      %dma_wait3A_68 = tpu.memref_slice %dma_wait3A_66[%mul3A_4, %dma_wait3A_67] : memref<1280x256xi32, #tpu.memory_space<hbm>> -> memref<40x256xi32, #tpu.memory_space<hbm>>
      tpu.wait_dma2 semaphore(%run_scoped3A_44 : memref<!tpu.dma_semaphore, #tpu.memory_space<semaphore_mem>>) src(%dma_wait3A_68 : memref<40x256xi32, #tpu.memory_space<hbm>>) dst(%arg6 : memref<40x256xi32, #tpu.memory_space<vmem>>)
      tpu.yield
    }) : () -> ()
    %mul3A_5 = arith.constant 40 : i32
    %mul3A_6 = arith.muli %add3A, %mul3A_5 : i32
    %run_scoped3A_7 = arith.constant 1 : i32
    "tpu.region"() ({
      %run_scoped3A_44 = tpu.sem_alloc : memref<!tpu.dma_semaphore, #tpu.memory_space<semaphore_mem>>
      %dma_start3A_45 = arith.constant 0 : i32
      %dma_start3A_46 = arith.constant 0 : i32
      %dma_start3A_47 = tpu.memref_slice %arg3[%run_scoped3A_7, %dma_start3A_45, %dma_start3A_46] : memref<2x1280x256xi32, #tpu.memory_space<hbm>> -> memref<1x1280x256xi32, #tpu.memory_space<hbm>>
      %dma_start3A_48 = tpu.memref_squeeze %dma_start3A_47 : memref<1x1280x256xi32, #tpu.memory_space<hbm>> -> memref<1280x256xi32, #tpu.memory_space<hbm>>
      %dma_start3A_49 = arith.constant 0 : i32
      %dma_start3A_50 = tpu.memref_slice %dma_start3A_48[%mul3A_6, %dma_start3A_49] : memref<1280x256xi32, #tpu.memory_space<hbm>> -> memref<40x256xi32, #tpu.memory_space<hbm>>
      %dma_start3A_51 = arith.constant 0 : i32
      %dma_start3A_52 = arith.constant 0 : i32
      %dma_start3A_53 = tpu.memref_slice %arg3[%run_scoped3A_7, %dma_start3A_51, %dma_start3A_52] : memref<2x1280x256xi32, #tpu.memory_space<hbm>> -> memref<1x1280x256xi32, #tpu.memory_space<hbm>>
      %dma_start3A_54 = tpu.memref_squeeze %dma_start3A_53 : memref<1x1280x256xi32, #tpu.memory_space<hbm>> -> memref<1280x256xi32, #tpu.memory_space<hbm>>
      %dma_start3A_55 = arith.constant 0 : i32
      %dma_start3A_56 = tpu.memref_slice %dma_start3A_54[%mul3A_6, %dma_start3A_55] : memref<1280x256xi32, #tpu.memory_space<hbm>> -> memref<40x256xi32, #tpu.memory_space<hbm>>
      tpu.enqueue_dma source(%dma_start3A_56 : memref<40x256xi32, #tpu.memory_space<hbm>>) target(%arg7 : memref<40x256xi32, #tpu.memory_space<vmem>>) target_semaphore(%run_scoped3A_44 : memref<!tpu.dma_semaphore, #tpu.memory_space<semaphore_mem>>)
      %dma_wait3A_57 = arith.constant 0 : i32
      %dma_wait3A_58 = arith.constant 0 : i32
      %dma_wait3A_59 = tpu.memref_slice %arg3[%run_scoped3A_7, %dma_wait3A_57, %dma_wait3A_58] : memref<2x1280x256xi32, #tpu.memory_space<hbm>> -> memref<1x1280x256xi32, #tpu.memory_space<hbm>>
      %dma_wait3A_60 = tpu.memref_squeeze %dma_wait3A_59 : memref<1x1280x256xi32, #tpu.memory_space<hbm>> -> memref<1280x256xi32, #tpu.memory_space<hbm>>
      %dma_wait3A_61 = arith.constant 0 : i32
      %dma_wait3A_62 = tpu.memref_slice %dma_wait3A_60[%mul3A_6, %dma_wait3A_61] : memref<1280x256xi32, #tpu.memory_space<hbm>> -> memref<40x256xi32, #tpu.memory_space<hbm>>
      %dma_wait3A_63 = arith.constant 0 : i32
      %dma_wait3A_64 = arith.constant 0 : i32
      %dma_wait3A_65 = tpu.memref_slice %arg3[%run_scoped3A_7, %dma_wait3A_63, %dma_wait3A_64] : memref<2x1280x256xi32, #tpu.memory_space<hbm>> -> memref<1x1280x256xi32, #tpu.memory_space<hbm>>
      %dma_wait3A_66 = tpu.memref_squeeze %dma_wait3A_65 : memref<1x1280x256xi32, #tpu.memory_space<hbm>> -> memref<1280x256xi32, #tpu.memory_space<hbm>>
      %dma_wait3A_67 = arith.constant 0 : i32
      %dma_wait3A_68 = tpu.memref_slice %dma_wait3A_66[%mul3A_6, %dma_wait3A_67] : memref<1280x256xi32, #tpu.memory_space<hbm>> -> memref<40x256xi32, #tpu.memory_space<hbm>>
      tpu.wait_dma2 semaphore(%run_scoped3A_44 : memref<!tpu.dma_semaphore, #tpu.memory_space<semaphore_mem>>) src(%dma_wait3A_68 : memref<40x256xi32, #tpu.memory_space<hbm>>) dst(%arg7 : memref<40x256xi32, #tpu.memory_space<vmem>>)
      tpu.yield
    }) : () -> ()
    %barrier3A = arith.constant 0 : index
    tpu.barrier barrier_id(%barrier3A)
    %dma_start3A = arith.constant 0 : i32
    %dma_start3A_8 = arith.constant 0 : i32
    %dma_start3A_9 = tpu.memref_slice %arg6[%dma_start3A, %dma_start3A_8] : memref<40x256xi32, #tpu.memory_space<vmem>> -> memref<1x256xi32, #tpu.memory_space<vmem>>
    %dma_start3A_10 = tpu.memref_squeeze %dma_start3A_9 : memref<1x256xi32, #tpu.memory_space<vmem>> -> memref<256xi32, #tpu.memory_space<vmem>>
    %dma_start3A_11 = arith.constant 0 : i32
    %dma_start3A_12 = arith.constant 0 : i32
    %dma_start3A_13 = tpu.memref_slice %arg2[%dma_start3A_11, %dma_start3A_12] : memref<10240x64xf32, #tpu.memory_space<hbm>> -> memref<10240x64xf32, #tpu.memory_space<hbm>>
    tpu.enqueue_indirect_dma source(%dma_start3A_13 : memref<10240x64xf32, #tpu.memory_space<hbm>>) target(%arg8 : memref<256x64xf32, #tpu.memory_space<vmem>>) offsets(%dma_start3A_10 : memref<256xi32, #tpu.memory_space<vmem>>) semaphore(%arg11 : memref<!tpu.dma_semaphore, #tpu.memory_space<semaphore_mem>>)
    %dma_start3A_14 = arith.constant 1 : i32
    %dma_start3A_15 = arith.constant 0 : i32
    %dma_start3A_16 = tpu.memref_slice %arg6[%dma_start3A_14, %dma_start3A_15] : memref<40x256xi32, #tpu.memory_space<vmem>> -> memref<1x256xi32, #tpu.memory_space<vmem>>
    %dma_start3A_17 = tpu.memref_squeeze %dma_start3A_16 : memref<1x256xi32, #tpu.memory_space<vmem>> -> memref<256xi32, #tpu.memory_space<vmem>>
    %dma_start3A_18 = arith.constant 0 : i32
    %dma_start3A_19 = arith.constant 0 : i32
    %dma_start3A_20 = tpu.memref_slice %arg2[%dma_start3A_18, %dma_start3A_19] : memref<10240x64xf32, #tpu.memory_space<hbm>> -> memref<10240x64xf32, #tpu.memory_space<hbm>>
    tpu.enqueue_indirect_dma source(%dma_start3A_20 : memref<10240x64xf32, #tpu.memory_space<hbm>>) target(%arg9 : memref<256x64xf32, #tpu.memory_space<vmem>>) offsets(%dma_start3A_17 : memref<256xi32, #tpu.memory_space<vmem>>) semaphore(%arg12 : memref<!tpu.dma_semaphore, #tpu.memory_space<semaphore_mem>>)
    %scan3A = arith.constant 0 : i32
    %scan3A_21 = arith.constant 0 : i32
    %scan3A_22 = arith.constant 20 : i32
    %scan3A_23 = arith.addi %scan3A_21, %scan3A_22 : i32
    %scan3A_24 = arith.constant 1 : i32
    scf.for %scan3A_44 = %scan3A_21 to %scan3A_23 step %scan3A_24  : i32 {
      %mul3A_45 = arith.constant 2 : i32
      %mul3A_46 = arith.muli %mul3A_45, %scan3A_44 : i32
      %dma_wait3A_47 = arith.constant 0 : i32
      %dma_wait3A_48 = arith.constant 0 : i32
      %dma_wait3A_49 = tpu.memref_slice %arg6[%dma_wait3A_47, %dma_wait3A_48] : memref<40x256xi32, #tpu.memory_space<vmem>> -> memref<1x256xi32, #tpu.memory_space<vmem>>
      %dma_wait3A_50 = tpu.memref_squeeze %dma_wait3A_49 : memref<1x256xi32, #tpu.memory_space<vmem>> -> memref<256xi32, #tpu.memory_space<vmem>>
      %dma_wait3A_51 = arith.constant 0 : i32
      %dma_wait3A_52 = arith.constant 0 : i32
      %dma_wait3A_53 = tpu.memref_slice %arg2[%dma_wait3A_51, %dma_wait3A_52] : memref<10240x64xf32, #tpu.memory_space<hbm>> -> memref<10240x64xf32, #tpu.memory_space<hbm>>
      tpu.wait_indirect_dma semaphore(%arg11 : memref<!tpu.dma_semaphore, #tpu.memory_space<semaphore_mem>>) src(%dma_wait3A_53 : memref<10240x64xf32, #tpu.memory_space<hbm>>) dst(%arg8 : memref<256x64xf32, #tpu.memory_space<vmem>>)
      %dma_start3A_54 = arith.constant 0 : i32
      %dma_start3A_55 = tpu.memref_slice %arg7[%mul3A_46, %dma_start3A_54] : memref<40x256xi32, #tpu.memory_space<vmem>> -> memref<1x256xi32, #tpu.memory_space<vmem>>
      %dma_start3A_56 = tpu.memref_squeeze %dma_start3A_55 : memref<1x256xi32, #tpu.memory_space<vmem>> -> memref<256xi32, #tpu.memory_space<vmem>>
      %dma_start3A_57 = arith.constant 0 : i32
      %dma_start3A_58 = arith.constant 0 : i32
      %dma_start3A_59 = tpu.memref_slice %arg10[%dma_start3A_57, %dma_start3A_58] : memref<10240x64xf32, #tpu.memory_space<vmem_shared>> -> memref<10240x64xf32, #tpu.memory_space<vmem_shared>>
      tpu.enqueue_indirect_dma source(%arg8 : memref<256x64xf32, #tpu.memory_space<vmem>>) target(%dma_start3A_59 : memref<10240x64xf32, #tpu.memory_space<vmem_shared>>) offsets(%dma_start3A_56 : memref<256xi32, #tpu.memory_space<vmem>>) semaphore(%arg13 : memref<!tpu.dma_semaphore, #tpu.memory_space<semaphore_mem>>) {add = true}
      %dma_wait3A_60 = arith.constant 0 : i32
      %dma_wait3A_61 = arith.constant 0 : i32
      %dma_wait3A_62 = tpu.memref_slice %arg6[%dma_wait3A_60, %dma_wait3A_61] : memref<40x256xi32, #tpu.memory_space<vmem>> -> memref<1x256xi32, #tpu.memory_space<vmem>>
      %dma_wait3A_63 = tpu.memref_squeeze %dma_wait3A_62 : memref<1x256xi32, #tpu.memory_space<vmem>> -> memref<256xi32, #tpu.memory_space<vmem>>
      %dma_wait3A_64 = arith.constant 0 : i32
      %dma_wait3A_65 = arith.constant 0 : i32
      %dma_wait3A_66 = tpu.memref_slice %arg2[%dma_wait3A_64, %dma_wait3A_65] : memref<10240x64xf32, #tpu.memory_space<hbm>> -> memref<10240x64xf32, #tpu.memory_space<hbm>>
      tpu.wait_indirect_dma semaphore(%arg12 : memref<!tpu.dma_semaphore, #tpu.memory_space<semaphore_mem>>) src(%dma_wait3A_66 : memref<10240x64xf32, #tpu.memory_space<hbm>>) dst(%arg9 : memref<256x64xf32, #tpu.memory_space<vmem>>)
      %add3A_67 = arith.constant 1 : i32
      %add3A_68 = arith.addi %mul3A_46, %add3A_67 : i32
      %dma_start3A_69 = arith.constant 0 : i32
      %dma_start3A_70 = tpu.memref_slice %arg7[%add3A_68, %dma_start3A_69] : memref<40x256xi32, #tpu.memory_space<vmem>> -> memref<1x256xi32, #tpu.memory_space<vmem>>
      %dma_start3A_71 = tpu.memref_squeeze %dma_start3A_70 : memref<1x256xi32, #tpu.memory_space<vmem>> -> memref<256xi32, #tpu.memory_space<vmem>>
      %dma_start3A_72 = arith.constant 0 : i32
      %dma_start3A_73 = arith.constant 0 : i32
      %dma_start3A_74 = tpu.memref_slice %arg10[%dma_start3A_72, %dma_start3A_73] : memref<10240x64xf32, #tpu.memory_space<vmem_shared>> -> memref<10240x64xf32, #tpu.memory_space<vmem_shared>>
      tpu.enqueue_indirect_dma source(%arg9 : memref<256x64xf32, #tpu.memory_space<vmem>>) target(%dma_start3A_74 : memref<10240x64xf32, #tpu.memory_space<vmem_shared>>) offsets(%dma_start3A_71 : memref<256xi32, #tpu.memory_space<vmem>>) semaphore(%arg14 : memref<!tpu.dma_semaphore, #tpu.memory_space<semaphore_mem>>) {add = true}
      %dma_wait3A_75 = arith.constant 0 : i32
      %dma_wait3A_76 = arith.constant 0 : i32
      %dma_wait3A_77 = tpu.memref_slice %arg7[%dma_wait3A_75, %dma_wait3A_76] : memref<40x256xi32, #tpu.memory_space<vmem>> -> memref<1x256xi32, #tpu.memory_space<vmem>>
      %dma_wait3A_78 = tpu.memref_squeeze %dma_wait3A_77 : memref<1x256xi32, #tpu.memory_space<vmem>> -> memref<256xi32, #tpu.memory_space<vmem>>
      %dma_wait3A_79 = arith.constant 0 : i32
      %dma_wait3A_80 = arith.constant 0 : i32
      %dma_wait3A_81 = tpu.memref_slice %arg10[%dma_wait3A_79, %dma_wait3A_80] : memref<10240x64xf32, #tpu.memory_space<vmem_shared>> -> memref<10240x64xf32, #tpu.memory_space<vmem_shared>>
      tpu.wait_indirect_dma semaphore(%arg13 : memref<!tpu.dma_semaphore, #tpu.memory_space<semaphore_mem>>) src(%arg8 : memref<256x64xf32, #tpu.memory_space<vmem>>) dst(%dma_wait3A_81 : memref<10240x64xf32, #tpu.memory_space<vmem_shared>>)
      %add3A_82 = arith.constant 2 : i32
      %add3A_83 = arith.addi %mul3A_46, %add3A_82 : i32
      %min3A = arith.constant 38 : i32
      %min3A_84 = arith.minsi %add3A_83, %min3A : i32
      %dma_start3A_85 = arith.constant 0 : i32
      %dma_start3A_86 = tpu.memref_slice %arg6[%min3A_84, %dma_start3A_85] : memref<40x256xi32, #tpu.memory_space<vmem>> -> memref<1x256xi32, #tpu.memory_space<vmem>>
      %dma_start3A_87 = tpu.memref_squeeze %dma_start3A_86 : memref<1x256xi32, #tpu.memory_space<vmem>> -> memref<256xi32, #tpu.memory_space<vmem>>
      %dma_start3A_88 = arith.constant 0 : i32
      %dma_start3A_89 = arith.constant 0 : i32
      %dma_start3A_90 = tpu.memref_slice %arg2[%dma_start3A_88, %dma_start3A_89] : memref<10240x64xf32, #tpu.memory_space<hbm>> -> memref<10240x64xf32, #tpu.memory_space<hbm>>
      tpu.enqueue_indirect_dma source(%dma_start3A_90 : memref<10240x64xf32, #tpu.memory_space<hbm>>) target(%arg8 : memref<256x64xf32, #tpu.memory_space<vmem>>) offsets(%dma_start3A_87 : memref<256xi32, #tpu.memory_space<vmem>>) semaphore(%arg11 : memref<!tpu.dma_semaphore, #tpu.memory_space<semaphore_mem>>)
      %dma_wait3A_91 = arith.constant 0 : i32
      %dma_wait3A_92 = arith.constant 0 : i32
      %dma_wait3A_93 = tpu.memref_slice %arg7[%dma_wait3A_91, %dma_wait3A_92] : memref<40x256xi32, #tpu.memory_space<vmem>> -> memref<1x256xi32, #tpu.memory_space<vmem>>
      %dma_wait3A_94 = tpu.memref_squeeze %dma_wait3A_93 : memref<1x256xi32, #tpu.memory_space<vmem>> -> memref<256xi32, #tpu.memory_space<vmem>>
      %dma_wait3A_95 = arith.constant 0 : i32
      %dma_wait3A_96 = arith.constant 0 : i32
      %dma_wait3A_97 = tpu.memref_slice %arg10[%dma_wait3A_95, %dma_wait3A_96] : memref<10240x64xf32, #tpu.memory_space<vmem_shared>> -> memref<10240x64xf32, #tpu.memory_space<vmem_shared>>
      tpu.wait_indirect_dma semaphore(%arg14 : memref<!tpu.dma_semaphore, #tpu.memory_space<semaphore_mem>>) src(%arg9 : memref<256x64xf32, #tpu.memory_space<vmem>>) dst(%dma_wait3A_97 : memref<10240x64xf32, #tpu.memory_space<vmem_shared>>)
      %add3A_98 = arith.constant 3 : i32
      %add3A_99 = arith.addi %mul3A_46, %add3A_98 : i32
      %min3A_100 = arith.constant 39 : i32
      %min3A_101 = arith.minsi %add3A_99, %min3A_100 : i32
      %dma_start3A_102 = arith.constant 0 : i32
      %dma_start3A_103 = tpu.memref_slice %arg6[%min3A_101, %dma_start3A_102] : memref<40x256xi32, #tpu.memory_space<vmem>> -> memref<1x256xi32, #tpu.memory_space<vmem>>
      %dma_start3A_104 = tpu.memref_squeeze %dma_start3A_103 : memref<1x256xi32, #tpu.memory_space<vmem>> -> memref<256xi32, #tpu.memory_space<vmem>>
      %dma_start3A_105 = arith.constant 0 : i32
      %dma_start3A_106 = arith.constant 0 : i32
      %dma_start3A_107 = tpu.memref_slice %arg2[%dma_start3A_105, %dma_start3A_106] : memref<10240x64xf32, #tpu.memory_space<hbm>> -> memref<10240x64xf32, #tpu.memory_space<hbm>>
      tpu.enqueue_indirect_dma source(%dma_start3A_107 : memref<10240x64xf32, #tpu.memory_space<hbm>>) target(%arg9 : memref<256x64xf32, #tpu.memory_space<vmem>>) offsets(%dma_start3A_104 : memref<256xi32, #tpu.memory_space<vmem>>) semaphore(%arg12 : memref<!tpu.dma_semaphore, #tpu.memory_space<semaphore_mem>>)
    }
    %scan3A_25 = arith.constant 20 : i32
    %dma_wait3A = arith.constant 0 : i32
    %dma_wait3A_26 = arith.constant 0 : i32
    %dma_wait3A_27 = tpu.memref_slice %arg6[%dma_wait3A, %dma_wait3A_26] : memref<40x256xi32, #tpu.memory_space<vmem>> -> memref<1x256xi32, #tpu.memory_space<vmem>>
    %dma_wait3A_28 = tpu.memref_squeeze %dma_wait3A_27 : memref<1x256xi32, #tpu.memory_space<vmem>> -> memref<256xi32, #tpu.memory_space<vmem>>
    %dma_wait3A_29 = arith.constant 0 : i32
    %dma_wait3A_30 = arith.constant 0 : i32
    %dma_wait3A_31 = tpu.memref_slice %arg2[%dma_wait3A_29, %dma_wait3A_30] : memref<10240x64xf32, #tpu.memory_space<hbm>> -> memref<10240x64xf32, #tpu.memory_space<hbm>>
    tpu.wait_indirect_dma semaphore(%arg11 : memref<!tpu.dma_semaphore, #tpu.memory_space<semaphore_mem>>) src(%dma_wait3A_31 : memref<10240x64xf32, #tpu.memory_space<hbm>>) dst(%arg8 : memref<256x64xf32, #tpu.memory_space<vmem>>)
    %dma_wait3A_32 = arith.constant 0 : i32
    %dma_wait3A_33 = arith.constant 0 : i32
    %dma_wait3A_34 = tpu.memref_slice %arg6[%dma_wait3A_32, %dma_wait3A_33] : memref<40x256xi32, #tpu.memory_space<vmem>> -> memref<1x256xi32, #tpu.memory_space<vmem>>
    %dma_wait3A_35 = tpu.memref_squeeze %dma_wait3A_34 : memref<1x256xi32, #tpu.memory_space<vmem>> -> memref<256xi32, #tpu.memory_space<vmem>>
    %dma_wait3A_36 = arith.constant 0 : i32
    %dma_wait3A_37 = arith.constant 0 : i32
    %dma_wait3A_38 = tpu.memref_slice %arg2[%dma_wait3A_36, %dma_wait3A_37] : memref<10240x64xf32, #tpu.memory_space<hbm>> -> memref<10240x64xf32, #tpu.memory_space<hbm>>
    tpu.wait_indirect_dma semaphore(%arg12 : memref<!tpu.dma_semaphore, #tpu.memory_space<semaphore_mem>>) src(%dma_wait3A_38 : memref<10240x64xf32, #tpu.memory_space<hbm>>) dst(%arg9 : memref<256x64xf32, #tpu.memory_space<vmem>>)
    %barrier3A_39 = arith.constant 0 : index
    tpu.barrier barrier_id(%barrier3A_39)
    %mul3A_40 = arith.constant 640 : i32
    %mul3A_41 = arith.muli %arg1, %mul3A_40 : i32
    %mul3A_42 = arith.constant 640 : i32
    %mul3A_43 = arith.muli %arg1, %mul3A_42 : i32
    "tpu.region"() ({
      %run_scoped3A_44 = tpu.sem_alloc : memref<!tpu.dma_semaphore, #tpu.memory_space<semaphore_mem>>
      %dma_start3A_45 = arith.constant 0 : i32
      %dma_start3A_46 = arith.constant 0 : i32
      %dma_start3A_47 = tpu.memref_slice %arg5[%arg0, %dma_start3A_45, %dma_start3A_46] : memref<2x10240x64xf32, #tpu.memory_space<hbm>> -> memref<1x10240x64xf32, #tpu.memory_space<hbm>>
      %dma_start3A_48 = tpu.memref_squeeze %dma_start3A_47 : memref<1x10240x64xf32, #tpu.memory_space<hbm>> -> memref<10240x64xf32, #tpu.memory_space<hbm>>
      %dma_start3A_49 = arith.constant 0 : i32
      %dma_start3A_50 = tpu.memref_slice %dma_start3A_48[%mul3A_43, %dma_start3A_49] : memref<10240x64xf32, #tpu.memory_space<hbm>> -> memref<640x64xf32, #tpu.memory_space<hbm>>
      %dma_start3A_51 = arith.constant 0 : i32
      %dma_start3A_52 = tpu.memref_slice %arg10[%mul3A_41, %dma_start3A_51] : memref<10240x64xf32, #tpu.memory_space<vmem_shared>> -> memref<640x64xf32, #tpu.memory_space<vmem_shared>>
      tpu.enqueue_dma source(%dma_start3A_52 : memref<640x64xf32, #tpu.memory_space<vmem_shared>>) target(%dma_start3A_50 : memref<640x64xf32, #tpu.memory_space<hbm>>) target_semaphore(%run_scoped3A_44 : memref<!tpu.dma_semaphore, #tpu.memory_space<semaphore_mem>>)
      %dma_wait3A_53 = arith.constant 0 : i32
      %dma_wait3A_54 = arith.constant 0 : i32
      %dma_wait3A_55 = tpu.memref_slice %arg5[%arg0, %dma_wait3A_53, %dma_wait3A_54] : memref<2x10240x64xf32, #tpu.memory_space<hbm>> -> memref<1x10240x64xf32, #tpu.memory_space<hbm>>
      %dma_wait3A_56 = tpu.memref_squeeze %dma_wait3A_55 : memref<1x10240x64xf32, #tpu.memory_space<hbm>> -> memref<10240x64xf32, #tpu.memory_space<hbm>>
      %dma_wait3A_57 = arith.constant 0 : i32
      %dma_wait3A_58 = tpu.memref_slice %dma_wait3A_56[%mul3A_43, %dma_wait3A_57] : memref<10240x64xf32, #tpu.memory_space<hbm>> -> memref<640x64xf32, #tpu.memory_space<hbm>>
      %dma_wait3A_59 = arith.constant 0 : i32
      %dma_wait3A_60 = tpu.memref_slice %arg10[%mul3A_41, %dma_wait3A_59] : memref<10240x64xf32, #tpu.memory_space<vmem_shared>> -> memref<640x64xf32, #tpu.memory_space<vmem_shared>>
      tpu.wait_dma2 semaphore(%run_scoped3A_44 : memref<!tpu.dma_semaphore, #tpu.memory_space<semaphore_mem>>) src(%dma_wait3A_60 : memref<640x64xf32, #tpu.memory_space<vmem_shared>>) dst(%dma_wait3A_58 : memref<640x64xf32, #tpu.memory_space<hbm>>)
      tpu.yield
    }) : () -> ()
    return
  }
}

module attributes {stable_mosaic.version = 14 : i64} {
  func.func @body(%arg0: memref<10240x128xf32, #tpu.memory_space<vmem>>, %arg1: memref<128x16xf32, #tpu.memory_space<vmem>>, %arg2: memref<10240x16xf32, #tpu.memory_space<vmem>>) attributes {dimension_semantics = [], scalar_prefetch = 0 : i64, scratch_operands = 0 : i64, tpu.core_type = #tpu.core_type<tc>} {
    %get3A = arith.constant 0 : index
    %get3A_0 = arith.constant 0 : index
    %get3A_1 = vector.load %arg0[%get3A, %get3A_0] : memref<10240x128xf32, #tpu.memory_space<vmem>>, vector<10240x128xf32>
    %get3A_2 = arith.constant 0 : index
    %get3A_3 = arith.constant 0 : index
    %get3A_4 = vector.load %arg1[%get3A_2, %get3A_3] : memref<128x16xf32, #tpu.memory_space<vmem>>, vector<128x16xf32>
    %dot_general3A = arith.constant dense<0.000000e+00> : vector<10240x16xf32>
    %dot_general3A_5 = tpu.matmul %get3A_1, %get3A_4, %dot_general3A {dimension_numbers = #tpu.dot_dimension_numbers<[1], [0], [0], [1], [0, 0, 1, 1], [], []>, transpose_lhs_hint = false} : vector<10240x128xf32>, vector<128x16xf32>, vector<10240x16xf32> -> vector<10240x16xf32>
    %swap3A = arith.constant 0 : index
    %swap3A_6 = arith.constant 0 : index
    %swap3A_7 = vector.load %arg2[%swap3A, %swap3A_6] : memref<10240x16xf32, #tpu.memory_space<vmem>>, vector<10240x16xf32>
    tpu.vector_store %arg2[%swap3A, %swap3A_6], %dot_general3A_5 {strides = array<i32>} : memref<10240x16xf32, #tpu.memory_space<vmem>>, vector<10240x16xf32>,
    return
  }
}

module attributes {stable_mosaic.version = 14 : i64} {
  func.func @body(%arg0: memref<2x10240x16xf32, #tpu.memory_space<vmem>>, %arg1: memref<1x16xf32, #tpu.memory_space<vmem>>, %arg2: memref<16x32xf32, #tpu.memory_space<vmem>>, %arg3: memref<10240x32xf32, #tpu.memory_space<vmem>>) attributes {dimension_semantics = [], scalar_prefetch = 0 : i64, scratch_operands = 0 : i64, tpu.core_type = #tpu.core_type<tc>} {
    %get3A = arith.constant 0 : index
    %get3A_0 = arith.constant 0 : index
    %get3A_1 = arith.constant 0 : index
    %get3A_2 = vector.load %arg0[%get3A, %get3A_0, %get3A_1] : memref<2x10240x16xf32, #tpu.memory_space<vmem>>, vector<1x10240x16xf32>
    %get3A_3 = vector.shape_cast %get3A_2 : vector<1x10240x16xf32> to vector<10240x16xf32>
    %get3A_4 = arith.constant 1 : index
    %get3A_5 = arith.constant 0 : index
    %get3A_6 = arith.constant 0 : index
    %get3A_7 = vector.load %arg0[%get3A_4, %get3A_5, %get3A_6] : memref<2x10240x16xf32, #tpu.memory_space<vmem>>, vector<1x10240x16xf32>
    %get3A_8 = vector.shape_cast %get3A_7 : vector<1x10240x16xf32> to vector<10240x16xf32>
    %add3A = arith.addf %get3A_3, %get3A_8 : vector<10240x16xf32>
    %get3A_9 = arith.constant 0 : index
    %get3A_10 = arith.constant 0 : index
    %get3A_11 = vector.load %arg1[%get3A_9, %get3A_10] : memref<1x16xf32, #tpu.memory_space<vmem>>, vector<1x16xf32>
    %add3A_12 = vector.broadcast %get3A_11 : vector<1x16xf32> to vector<10240x16xf32>
    %add3A_13 = arith.addf %add3A, %add3A_12 : vector<10240x16xf32>
    %ge3A = arith.constant 0.000000e+00 : f32
    %ge3A_14 = vector.broadcast %ge3A : f32 to vector<10240x16xf32>
    %ge3A_15 = arith.cmpf oge, %add3A_13, %ge3A_14 : vector<10240x16xf32>
    %mul3A = arith.constant 0.00999999977 : f32
    %mul3A_16 = vector.broadcast %mul3A : f32 to vector<10240x16xf32>
    %mul3A_17 = arith.mulf %mul3A_16, %add3A_13 : vector<10240x16xf32>
    %select_n3A = arith.select %ge3A_15, %add3A_13, %mul3A_17 : vector<10240x16xi1>, vector<10240x16xf32>
    %get3A_18 = arith.constant 0 : index
    %get3A_19 = arith.constant 0 : index
    %get3A_20 = vector.load %arg2[%get3A_18, %get3A_19] : memref<16x32xf32, #tpu.memory_space<vmem>>, vector<16x32xf32>
    %dot_general3A = arith.constant dense<0.000000e+00> : vector<10240x32xf32>
    %dot_general3A_21 = tpu.matmul %select_n3A, %get3A_20, %dot_general3A {dimension_numbers = #tpu.dot_dimension_numbers<[1], [0], [0], [1], [0, 0, 1, 1], [], []>, transpose_lhs_hint = false} : vector<10240x16xf32>, vector<16x32xf32>, vector<10240x32xf32> -> vector<10240x32xf32>
    %swap3A = arith.constant 0 : index
    %swap3A_22 = arith.constant 0 : index
    %swap3A_23 = vector.load %arg3[%swap3A, %swap3A_22] : memref<10240x32xf32, #tpu.memory_space<vmem>>, vector<10240x32xf32>
    tpu.vector_store %arg3[%swap3A, %swap3A_22], %dot_general3A_21 {strides = array<i32>} : memref<10240x32xf32, #tpu.memory_space<vmem>>, vector<10240x32xf32>,
    return
  }
}

module attributes {stable_mosaic.version = 14 : i64} {
  func.func @body(%arg0: memref<2x10240x32xf32, #tpu.memory_space<vmem>>, %arg1: memref<1x32xf32, #tpu.memory_space<vmem>>, %arg2: memref<32x64xf32, #tpu.memory_space<vmem>>, %arg3: memref<10240x64xf32, #tpu.memory_space<vmem>>) attributes {dimension_semantics = [], scalar_prefetch = 0 : i64, scratch_operands = 0 : i64, tpu.core_type = #tpu.core_type<tc>} {
    %get3A = arith.constant 0 : index
    %get3A_0 = arith.constant 0 : index
    %get3A_1 = arith.constant 0 : index
    %get3A_2 = vector.load %arg0[%get3A, %get3A_0, %get3A_1] : memref<2x10240x32xf32, #tpu.memory_space<vmem>>, vector<1x10240x32xf32>
    %get3A_3 = vector.shape_cast %get3A_2 : vector<1x10240x32xf32> to vector<10240x32xf32>
    %get3A_4 = arith.constant 1 : index
    %get3A_5 = arith.constant 0 : index
    %get3A_6 = arith.constant 0 : index
    %get3A_7 = vector.load %arg0[%get3A_4, %get3A_5, %get3A_6] : memref<2x10240x32xf32, #tpu.memory_space<vmem>>, vector<1x10240x32xf32>
    %get3A_8 = vector.shape_cast %get3A_7 : vector<1x10240x32xf32> to vector<10240x32xf32>
    %add3A = arith.addf %get3A_3, %get3A_8 : vector<10240x32xf32>
    %get3A_9 = arith.constant 0 : index
    %get3A_10 = arith.constant 0 : index
    %get3A_11 = vector.load %arg1[%get3A_9, %get3A_10] : memref<1x32xf32, #tpu.memory_space<vmem>>, vector<1x32xf32>
    %add3A_12 = vector.broadcast %get3A_11 : vector<1x32xf32> to vector<10240x32xf32>
    %add3A_13 = arith.addf %add3A, %add3A_12 : vector<10240x32xf32>
    %ge3A = arith.constant 0.000000e+00 : f32
    %ge3A_14 = vector.broadcast %ge3A : f32 to vector<10240x32xf32>
    %ge3A_15 = arith.cmpf oge, %add3A_13, %ge3A_14 : vector<10240x32xf32>
    %mul3A = arith.constant 0.00999999977 : f32
    %mul3A_16 = vector.broadcast %mul3A : f32 to vector<10240x32xf32>
    %mul3A_17 = arith.mulf %mul3A_16, %add3A_13 : vector<10240x32xf32>
    %select_n3A = arith.select %ge3A_15, %add3A_13, %mul3A_17 : vector<10240x32xi1>, vector<10240x32xf32>
    %get3A_18 = arith.constant 0 : index
    %get3A_19 = arith.constant 0 : index
    %get3A_20 = vector.load %arg2[%get3A_18, %get3A_19] : memref<32x64xf32, #tpu.memory_space<vmem>>, vector<32x64xf32>
    %dot_general3A = arith.constant dense<0.000000e+00> : vector<10240x64xf32>
    %dot_general3A_21 = tpu.matmul %select_n3A, %get3A_20, %dot_general3A {dimension_numbers = #tpu.dot_dimension_numbers<[1], [0], [0], [1], [0, 0, 1, 1], [], []>, transpose_lhs_hint = false} : vector<10240x32xf32>, vector<32x64xf32>, vector<10240x64xf32> -> vector<10240x64xf32>
    %swap3A = arith.constant 0 : index
    %swap3A_22 = arith.constant 0 : index
    %swap3A_23 = vector.load %arg3[%swap3A, %swap3A_22] : memref<10240x64xf32, #tpu.memory_space<vmem>>, vector<10240x64xf32>
    tpu.vector_store %arg3[%swap3A, %swap3A_22], %dot_general3A_21 {strides = array<i32>} : memref<10240x64xf32, #tpu.memory_space<vmem>>, vector<10240x64xf32>,
    return
  }
}

module attributes {stable_mosaic.version = 14 : i64} {
  func.func @body(%arg0: memref<2x10240x64xf32, #tpu.memory_space<vmem>>, %arg1: memref<1x64xf32, #tpu.memory_space<vmem>>, %arg2: memref<64x64xf32, #tpu.memory_space<vmem>>, %arg3: memref<10240x64xf32, #tpu.memory_space<vmem>>) attributes {dimension_semantics = [], scalar_prefetch = 0 : i64, scratch_operands = 0 : i64, tpu.core_type = #tpu.core_type<tc>} {
    %get3A = arith.constant 0 : index
    %get3A_0 = arith.constant 0 : index
    %get3A_1 = arith.constant 0 : index
    %get3A_2 = vector.load %arg0[%get3A, %get3A_0, %get3A_1] : memref<2x10240x64xf32, #tpu.memory_space<vmem>>, vector<1x10240x64xf32>
    %get3A_3 = vector.shape_cast %get3A_2 : vector<1x10240x64xf32> to vector<10240x64xf32>
    %get3A_4 = arith.constant 1 : index
    %get3A_5 = arith.constant 0 : index
    %get3A_6 = arith.constant 0 : index
    %get3A_7 = vector.load %arg0[%get3A_4, %get3A_5, %get3A_6] : memref<2x10240x64xf32, #tpu.memory_space<vmem>>, vector<1x10240x64xf32>
    %get3A_8 = vector.shape_cast %get3A_7 : vector<1x10240x64xf32> to vector<10240x64xf32>
    %add3A = arith.addf %get3A_3, %get3A_8 : vector<10240x64xf32>
    %get3A_9 = arith.constant 0 : index
    %get3A_10 = arith.constant 0 : index
    %get3A_11 = vector.load %arg1[%get3A_9, %get3A_10] : memref<1x64xf32, #tpu.memory_space<vmem>>, vector<1x64xf32>
    %add3A_12 = vector.broadcast %get3A_11 : vector<1x64xf32> to vector<10240x64xf32>
    %add3A_13 = arith.addf %add3A, %add3A_12 : vector<10240x64xf32>
    %ge3A = arith.constant 0.000000e+00 : f32
    %ge3A_14 = vector.broadcast %ge3A : f32 to vector<10240x64xf32>
    %ge3A_15 = arith.cmpf oge, %add3A_13, %ge3A_14 : vector<10240x64xf32>
    %mul3A = arith.constant 0.00999999977 : f32
    %mul3A_16 = vector.broadcast %mul3A : f32 to vector<10240x64xf32>
    %mul3A_17 = arith.mulf %mul3A_16, %add3A_13 : vector<10240x64xf32>
    %select_n3A = arith.select %ge3A_15, %add3A_13, %mul3A_17 : vector<10240x64xi1>, vector<10240x64xf32>
    %get3A_18 = arith.constant 0 : index
    %get3A_19 = arith.constant 0 : index
    %get3A_20 = vector.load %arg2[%get3A_18, %get3A_19] : memref<64x64xf32, #tpu.memory_space<vmem>>, vector<64x64xf32>
    %dot_general3A = arith.constant dense<0.000000e+00> : vector<10240x64xf32>
    %dot_general3A_21 = tpu.matmul %select_n3A, %get3A_20, %dot_general3A {dimension_numbers = #tpu.dot_dimension_numbers<[1], [0], [0], [1], [0, 0, 1, 1], [], []>, transpose_lhs_hint = false} : vector<10240x64xf32>, vector<64x64xf32>, vector<10240x64xf32> -> vector<10240x64xf32>
    %swap3A = arith.constant 0 : index
    %swap3A_22 = arith.constant 0 : index
    %swap3A_23 = vector.load %arg3[%swap3A, %swap3A_22] : memref<10240x64xf32, #tpu.memory_space<vmem>>, vector<10240x64xf32>
    tpu.vector_store %arg3[%swap3A, %swap3A_22], %dot_general3A_21 {strides = array<i32>} : memref<10240x64xf32, #tpu.memory_space<vmem>>, vector<10240x64xf32>,
    return
  }
}

module attributes {stable_mosaic.version = 14 : i64} {
  func.func @body(%arg0: memref<2x10240x64xf32, #tpu.memory_space<vmem>>, %arg1: memref<1x64xf32, #tpu.memory_space<vmem>>, %arg2: memref<1x64xf32, #tpu.memory_space<vmem>>, %arg3: memref<1x64xf32, #tpu.memory_space<vmem>>, %arg4: memref<10240x1xi32, #tpu.memory_space<vmem>>, %arg5: memref<64x30xf32, #tpu.memory_space<vmem>>, %arg6: memref<1x30xf32, #tpu.memory_space<vmem>>, %arg7: memref<30x20xf32, #tpu.memory_space<vmem>>, %arg8: memref<1x20xf32, #tpu.memory_space<vmem>>, %arg9: memref<20x2xf32, #tpu.memory_space<vmem>>, %arg10: memref<1x2xf32, #tpu.memory_space<vmem>>, %arg11: memref<32x2xf32, #tpu.memory_space<vmem>>) attributes {dimension_semantics = [], scalar_prefetch = 0 : i64, scratch_operands = 0 : i64, tpu.core_type = #tpu.core_type<tc>} {
    %get3A = arith.constant 0 : index
    %get3A_0 = arith.constant 0 : index
    %get3A_1 = arith.constant 0 : index
    %get3A_2 = vector.load %arg0[%get3A, %get3A_0, %get3A_1] : memref<2x10240x64xf32, #tpu.memory_space<vmem>>, vector<1x10240x64xf32>
    %get3A_3 = vector.shape_cast %get3A_2 : vector<1x10240x64xf32> to vector<10240x64xf32>
    %get3A_4 = arith.constant 1 : index
    %get3A_5 = arith.constant 0 : index
    %get3A_6 = arith.constant 0 : index
    %get3A_7 = vector.load %arg0[%get3A_4, %get3A_5, %get3A_6] : memref<2x10240x64xf32, #tpu.memory_space<vmem>>, vector<1x10240x64xf32>
    %get3A_8 = vector.shape_cast %get3A_7 : vector<1x10240x64xf32> to vector<10240x64xf32>
    %add3A = arith.addf %get3A_3, %get3A_8 : vector<10240x64xf32>
    %get3A_9 = arith.constant 0 : index
    %get3A_10 = arith.constant 0 : index
    %get3A_11 = vector.load %arg1[%get3A_9, %get3A_10] : memref<1x64xf32, #tpu.memory_space<vmem>>, vector<1x64xf32>
    %add3A_12 = vector.broadcast %get3A_11 : vector<1x64xf32> to vector<10240x64xf32>
    %add3A_13 = arith.addf %add3A, %add3A_12 : vector<10240x64xf32>
    %iota3A = tpu.iota {dimensions = array<i32: 0>} : vector<10240x1xi32>
    %lt3A = arith.constant 10000 : i32
    %lt3A_14 = vector.broadcast %lt3A : i32 to vector<10240x1xi32>
    %lt3A_15 = arith.cmpi slt, %iota3A, %lt3A_14 : vector<10240x1xi32>
    %convert_element_type3A = arith.extui %lt3A_15 : vector<10240x1xi1> to vector<10240x1xi32>
    %convert_element_type3A_16 = arith.sitofp %convert_element_type3A : vector<10240x1xi32> to vector<10240x1xf32>
    %mul3A = vector.broadcast %convert_element_type3A_16 : vector<10240x1xf32> to vector<10240x64xf32>
    %mul3A_17 = arith.mulf %add3A_13, %mul3A : vector<10240x64xf32>
    %reduce_sum3A = arith.constant dense<0.000000e+00> : vector<64xf32>
    %reduce_sum3A_18 = vector.multi_reduction <add>, %mul3A_17, %reduce_sum3A [0] : vector<10240x64xf32> to vector<64xf32>
    %broadcast_in_dim3A = vector.shape_cast %reduce_sum3A_18 : vector<64xf32> to vector<1x64xf32>
    %div3A = arith.constant 1.000000e+04 : f32
    %div3A_19 = vector.broadcast %div3A : f32 to vector<1x64xf32>
    %div3A_20 = arith.divf %broadcast_in_dim3A, %div3A_19 : vector<1x64xf32>
    %sub3A = vector.broadcast %div3A_20 : vector<1x64xf32> to vector<10240x64xf32>
    %sub3A_21 = arith.subf %add3A_13, %sub3A : vector<10240x64xf32>
    %mul3A_22 = vector.broadcast %convert_element_type3A_16 : vector<10240x1xf32> to vector<10240x64xf32>
    %mul3A_23 = arith.mulf %sub3A_21, %mul3A_22 : vector<10240x64xf32>
    %mul3A_24 = arith.mulf %mul3A_23, %mul3A_23 : vector<10240x64xf32>
    %reduce_sum3A_25 = arith.constant dense<0.000000e+00> : vector<64xf32>
    %reduce_sum3A_26 = vector.multi_reduction <add>, %mul3A_24, %reduce_sum3A_25 [0] : vector<10240x64xf32> to vector<64xf32>
    %broadcast_in_dim3A_27 = vector.shape_cast %reduce_sum3A_26 : vector<64xf32> to vector<1x64xf32>
    %div3A_28 = arith.constant 1.000000e+04 : f32
    %div3A_29 = vector.broadcast %div3A_28 : f32 to vector<1x64xf32>
    %div3A_30 = arith.divf %broadcast_in_dim3A_27, %div3A_29 : vector<1x64xf32>
    %sub3A_31 = vector.broadcast %div3A_20 : vector<1x64xf32> to vector<10240x64xf32>
    %sub3A_32 = arith.subf %add3A_13, %sub3A_31 : vector<10240x64xf32>
    %add3A_33 = arith.constant 9.99999974E-6 : f32
    %add3A_34 = vector.broadcast %add3A_33 : f32 to vector<1x64xf32>
    %add3A_35 = arith.addf %div3A_30, %add3A_34 : vector<1x64xf32>
    %sqrt3A = math.sqrt %add3A_35 : vector<1x64xf32>
    %div3A_36 = vector.broadcast %sqrt3A : vector<1x64xf32> to vector<10240x64xf32>
    %div3A_37 = arith.divf %sub3A_32, %div3A_36 : vector<10240x64xf32>
    %get3A_38 = arith.constant 0 : index
    %get3A_39 = arith.constant 0 : index
    %get3A_40 = vector.load %arg2[%get3A_38, %get3A_39] : memref<1x64xf32, #tpu.memory_space<vmem>>, vector<1x64xf32>
    %mul3A_41 = vector.broadcast %get3A_40 : vector<1x64xf32> to vector<10240x64xf32>
    %mul3A_42 = arith.mulf %div3A_37, %mul3A_41 : vector<10240x64xf32>
    %get3A_43 = arith.constant 0 : index
    %get3A_44 = arith.constant 0 : index
    %get3A_45 = vector.load %arg3[%get3A_43, %get3A_44] : memref<1x64xf32, #tpu.memory_space<vmem>>, vector<1x64xf32>
    %add3A_46 = vector.broadcast %get3A_45 : vector<1x64xf32> to vector<10240x64xf32>
    %add3A_47 = arith.addf %mul3A_42, %add3A_46 : vector<10240x64xf32>
    %ge3A = arith.constant 0.000000e+00 : f32
    %ge3A_48 = vector.broadcast %ge3A : f32 to vector<10240x64xf32>
    %ge3A_49 = arith.cmpf oge, %add3A_47, %ge3A_48 : vector<10240x64xf32>
    %mul3A_50 = arith.constant 0.00999999977 : f32
    %mul3A_51 = vector.broadcast %mul3A_50 : f32 to vector<10240x64xf32>
    %mul3A_52 = arith.mulf %mul3A_51, %add3A_47 : vector<10240x64xf32>
    %select_n3A = arith.select %ge3A_49, %add3A_47, %mul3A_52 : vector<10240x64xi1>, vector<10240x64xf32>
    %iota3A_53 = tpu.iota {dimensions = array<i32: 1>} : vector<1x32xi32>
    %get3A_54 = arith.constant 0 : index
    %get3A_55 = arith.constant 0 : index
    %get3A_56 = vector.load %arg4[%get3A_54, %get3A_55] : memref<10240x1xi32, #tpu.memory_space<vmem>>, vector<10240x1xi32>
    %eq3A = vector.broadcast %get3A_56 : vector<10240x1xi32> to vector<10240x32xi32>
    %eq3A_57 = vector.broadcast %iota3A_53 : vector<1x32xi32> to vector<10240x32xi32>
    %eq3A_58 = arith.cmpi eq, %eq3A, %eq3A_57 : vector<10240x32xi32>
    %convert_element_type3A_59 = arith.extui %eq3A_58 : vector<10240x32xi1> to vector<10240x32xi32>
    %convert_element_type3A_60 = arith.sitofp %convert_element_type3A_59 : vector<10240x32xi32> to vector<10240x32xf32>
    %dot_general3A = arith.constant dense<0.000000e+00> : vector<32x64xf32>
    %dot_general3A_61 = tpu.matmul %convert_element_type3A_60, %select_n3A, %dot_general3A {dimension_numbers = #tpu.dot_dimension_numbers<[0], [0], [1], [1], [0, 1, 1, 1], [], []>, precision = #tpu.contract_precision<fp32>, transpose_lhs_hint = false} : vector<10240x32xf32>, vector<10240x64xf32>, vector<32x64xf32> -> vector<32x64xf32>
    %get3A_62 = arith.constant 0 : index
    %get3A_63 = arith.constant 0 : index
    %get3A_64 = vector.load %arg5[%get3A_62, %get3A_63] : memref<64x30xf32, #tpu.memory_space<vmem>>, vector<64x30xf32>
    %dot_general3A_65 = arith.constant dense<0.000000e+00> : vector<32x30xf32>
    %dot_general3A_66 = tpu.matmul %dot_general3A_61, %get3A_64, %dot_general3A_65 {dimension_numbers = #tpu.dot_dimension_numbers<[1], [0], [0], [1], [0, 0, 1, 1], [], []>, transpose_lhs_hint = false} : vector<32x64xf32>, vector<64x30xf32>, vector<32x30xf32> -> vector<32x30xf32>
    %get3A_67 = arith.constant 0 : index
    %get3A_68 = arith.constant 0 : index
    %get3A_69 = vector.load %arg6[%get3A_67, %get3A_68] : memref<1x30xf32, #tpu.memory_space<vmem>>, vector<1x30xf32>
    %add3A_70 = vector.broadcast %get3A_69 : vector<1x30xf32> to vector<32x30xf32>
    %add3A_71 = arith.addf %dot_general3A_66, %add3A_70 : vector<32x30xf32>
    %ge3A_72 = arith.constant 0.000000e+00 : f32
    %ge3A_73 = vector.broadcast %ge3A_72 : f32 to vector<32x30xf32>
    %ge3A_74 = arith.cmpf oge, %add3A_71, %ge3A_73 : vector<32x30xf32>
    %mul3A_75 = arith.constant 0.00999999977 : f32
    %mul3A_76 = vector.broadcast %mul3A_75 : f32 to vector<32x30xf32>
    %mul3A_77 = arith.mulf %mul3A_76, %add3A_71 : vector<32x30xf32>
    %select_n3A_78 = arith.select %ge3A_74, %add3A_71, %mul3A_77 : vector<32x30xi1>, vector<32x30xf32>
    %get3A_79 = arith.constant 0 : index
    %get3A_80 = arith.constant 0 : index
    %get3A_81 = vector.load %arg7[%get3A_79, %get3A_80] : memref<30x20xf32, #tpu.memory_space<vmem>>, vector<30x20xf32>
    %dot_general3A_82 = arith.constant dense<0.000000e+00> : vector<32x20xf32>
    %dot_general3A_83 = tpu.matmul %select_n3A_78, %get3A_81, %dot_general3A_82 {dimension_numbers = #tpu.dot_dimension_numbers<[1], [0], [0], [1], [0, 0, 1, 1], [], []>, transpose_lhs_hint = false} : vector<32x30xf32>, vector<30x20xf32>, vector<32x20xf32> -> vector<32x20xf32>
    %get3A_84 = arith.constant 0 : index
    %get3A_85 = arith.constant 0 : index
    %get3A_86 = vector.load %arg8[%get3A_84, %get3A_85] : memref<1x20xf32, #tpu.memory_space<vmem>>, vector<1x20xf32>
    %add3A_87 = vector.broadcast %get3A_86 : vector<1x20xf32> to vector<32x20xf32>
    %add3A_88 = arith.addf %dot_general3A_83, %add3A_87 : vector<32x20xf32>
    %ge3A_89 = arith.constant 0.000000e+00 : f32
    %ge3A_90 = vector.broadcast %ge3A_89 : f32 to vector<32x20xf32>
    %ge3A_91 = arith.cmpf oge, %add3A_88, %ge3A_90 : vector<32x20xf32>
    %mul3A_92 = arith.constant 0.00999999977 : f32
    %mul3A_93 = vector.broadcast %mul3A_92 : f32 to vector<32x20xf32>
    %mul3A_94 = arith.mulf %mul3A_93, %add3A_88 : vector<32x20xf32>
    %select_n3A_95 = arith.select %ge3A_91, %add3A_88, %mul3A_94 : vector<32x20xi1>, vector<32x20xf32>
    %get3A_96 = arith.constant 0 : index
    %get3A_97 = arith.constant 0 : index
    %get3A_98 = vector.load %arg9[%get3A_96, %get3A_97] : memref<20x2xf32, #tpu.memory_space<vmem>>, vector<20x2xf32>
    %dot_general3A_99 = arith.constant dense<0.000000e+00> : vector<32x2xf32>
    %dot_general3A_100 = tpu.matmul %select_n3A_95, %get3A_98, %dot_general3A_99 {dimension_numbers = #tpu.dot_dimension_numbers<[1], [0], [0], [1], [0, 0, 1, 1], [], []>, transpose_lhs_hint = false} : vector<32x20xf32>, vector<20x2xf32>, vector<32x2xf32> -> vector<32x2xf32>
    %get3A_101 = arith.constant 0 : index
    %get3A_102 = arith.constant 0 : index
    %get3A_103 = vector.load %arg10[%get3A_101, %get3A_102] : memref<1x2xf32, #tpu.memory_space<vmem>>, vector<1x2xf32>
    %add3A_104 = vector.broadcast %get3A_103 : vector<1x2xf32> to vector<32x2xf32>
    %add3A_105 = arith.addf %dot_general3A_100, %add3A_104 : vector<32x2xf32>
    %reduce_max3A = arith.constant dense<0xFF800000> : vector<32xf32>
    %reduce_max3A_106 = vector.multi_reduction <maximumf>, %add3A_105, %reduce_max3A [1] : vector<32x2xf32> to vector<32xf32>
    %broadcast_in_dim3A_107 = vector.shape_cast %reduce_max3A_106 : vector<32xf32> to vector<32x1xf32>
    %sub3A_108 = vector.broadcast %broadcast_in_dim3A_107 : vector<32x1xf32> to vector<32x2xf32>
    %sub3A_109 = arith.subf %add3A_105, %sub3A_108 : vector<32x2xf32>
    %exp3A = math.exp %sub3A_109 : vector<32x2xf32>
    %reduce_sum3A_110 = arith.constant dense<0.000000e+00> : vector<32xf32>
    %reduce_sum3A_111 = vector.multi_reduction <add>, %exp3A, %reduce_sum3A_110 [1] : vector<32x2xf32> to vector<32xf32>
    %broadcast_in_dim3A_112 = vector.shape_cast %reduce_sum3A_111 : vector<32xf32> to vector<32x1xf32>
    %log3A = math.log %broadcast_in_dim3A_112 : vector<32x1xf32>
    %add3A_113 = arith.addf %broadcast_in_dim3A_107, %log3A : vector<32x1xf32>
    %sub3A_114 = vector.broadcast %add3A_113 : vector<32x1xf32> to vector<32x2xf32>
    %sub3A_115 = arith.subf %add3A_105, %sub3A_114 : vector<32x2xf32>
    %swap3A = arith.constant 0 : index
    %swap3A_116 = arith.constant 0 : index
    %swap3A_117 = vector.load %arg11[%swap3A, %swap3A_116] : memref<32x2xf32, #tpu.memory_space<vmem>>, vector<32x2xf32>
    tpu.vector_store %arg11[%swap3A, %swap3A_116], %sub3A_115 {strides = array<i32>} : memref<32x2xf32, #tpu.memory_space<vmem>>, vector<32x2xf32>,
    return
  }
}

</mosaic_0001>

<sc_bundles>
// kernel: kernel.11.cloned.1.call-start
scs
__scs_entry_jumppad:
0x0: {  	(pc) =	sbr.rel $0x88, $3  }
0x1: {  	(tag) =	ssettag $0x0;
	lr =	simm.s32 $0x1  }
0x2: {  	[smem:$0x3F8E] =	sst lr;
	_ =	strace $0xD0000000  }
0x3: {  	_ = 	snop  }
0x4: {  	_ = 	snop  }
0x5: {  	_ = 	snop  }
0x6: {  	_ = 	snop  }
0x7: {  	_ = 	snop  }
__scs_overlays_trampoline_lowered:
0x8: {  	[smem:$0x3F9D] =	sst s0  }
0x9: {  	[smem:$0x3F9E] =	sst s1  }
0xa: {  	[smem:$0x3F9F] =	sst s2  }
0xb: {  	[smem:$0x3FA0] =	sst s3  }
0xc: {  	[smem:$0x3FA1] =	sst s4  }
0xd: {  	[smem:$0x3FA2] =	sst s5  }
0xe: {  	[smem:$0x3FA3] =	sst s6  }
0xf: {  	[smem:$0x3FA4] =	sst s7  }
0x10: {  	[smem:$0x3FA5] =	sst s8  }
0x11: {  	[smem:$0x3FA6] =	sst s9;
	s0 =	simm.s32 @!p0 $0x0  }
0x12: {  	s1 =	sld [smem:$0x3F8C];
	s0 =	simm.s32 @p0 $0x1  }
0x13: {  	[smem:$0x3FA7] =	sst s0;
	s0 =	simm.s32 @!p1 $0x0  }
0x14: {  	s2 =	sld [smem:$0x3F8B];
	s0 =	simm.s32 @p1 $0x1  }
0x15: {  	[smem:$0x3FA8] =	sst s0;
	s0 =	simm.s32 @!p2 $0x0  }
0x16: {  	s3 =	sld [smem:$0x3FDB];
	s0 =	simm.s32 @p2 $0x1  }
0x17: {  	s4 =	simm.s32 $0x1BF5;
	[smem:$0x3FAA] =	sst s0  }
0x18: {  	s0 =	sld [smem:$0x3F8D];
	_ =	swait.ge [sflag:s4], $0x0  }
0x19: {  	s7 =	sld [smem:$0x3F8E]  }
0x1a: {  	s8 =	sadd.s32 $0xFFFFE003, lr  }
0x1b: {  	s9 =	sadd.s32 $0xFFFFFEF7, lr;
	s5 =	simm.s32 $0xFFFFFFFF;
	p2 =	slt.u32 s8, $0xFFFFF086  }
0x1c: {  	p1 =	slt.u32 s9, $0xF7A;
	s5 =	simm.s32 @!p2 $0x0  }
0x1d: {  	s5 =	simm.s32 @p1 $0x1;
	p0 =	seq.s32 s7, s2  }
0x1e: {  	s7 =	smul.u32 @!p0 $0xF7A, s2;
	p2 =	seq.s32 @!p0 s5, $0x0  }
0x1f: {  	s9 =	smul.u32 $0xF7A, s1;
	s8 =	simm.s32 @!p0 $0x1BF5;
	p2 =	por !p2, p0  }
0x20: {  	[sflag:s8] =	ssyncset.s32 @!p0 $0xFFFFF086;
	s6 =	sadd.s32 @!p0 s3, s7;
	s7 =	simm.s32 @!p0 $0x108  }
0x21: {  	s3 =	sadd.s32 s3, s9;
	s6 =	sadd.s32 @!p0 $0x88, s6;
	s7 =	simm.s32 @p2 $0x1082  }
0x22: {  	[simem:s7], [sflag:s8] =	dma.local @!p0 [hbm:s6], $0xF7A  }
0x23: {  	s9 =	sor.u32 $0xD0000000, s2;
	s6 =	simm.s32 $0x108;
	_ =	swait.ge @!p0 [sflag:s8], $0x0  }
0x24: {  	s3 =	sadd.s32 $0x88, s3;
	s6 =	simm.s32 @!p1 $0x1082;
	[sflag:s4] =	ssyncset.s32 $0xFFFFF086  }
0x25: {  	[simem:s6], [sflag:s4] =	dma.local [hbm:s3], $0xF7A  }
0x26: {  	[smem:$0x3F8E] =	sst s1;
	(tag) =	ssettag s2;
	_ =	strace s9  }
0x27: {  	s1 =	sld [smem:$0x3F9E]  }
0x28: {  	s2 =	sld [smem:$0x3F9F]  }
0x29: {  	s4 =	sld [smem:$0x3FA1]  }
0x2a: {  	p0 =	seq.s32 s5, $0x0;
	s5 =	sld [smem:$0x3FA2]  }
0x2b: {  	s6 =	sld [smem:$0x3FA3]  }
0x2c: {  	s7 =	sld [smem:$0x3FA4]  }
0x2d: {  	s3 =	simm.s32 $0x108;
	s8 =	sld [smem:$0x3FA5]  }
0x2e: {  	s3 =	simm.s32 @!p0 $0x1082;
	s9 =	sld [smem:$0x3FA6]  }
0x2f: {  	lr =	sadd.s32 s0, s3;
	s0 =	sld [smem:$0x3F9D]  }
0x30: {  	s3 =	sld [smem:$0x3FA0]  }
0x31: {  	[smem:$0x3FA9] =	sst s10  }
0x32: {  	s10 =	sld [smem:$0x3FA7];
	_ =	sdelay $0x3  }
0x33: {  	p0 =	seq.s32 s10, $0x1;
	s10 =	sld [smem:$0x3FA9];
	_ =	sdelay $0x3  }
0x34: {  	[smem:$0x3FA9] =	sst s10  }
0x35: {  	s10 =	sld [smem:$0x3FA8];
	_ =	sdelay $0x3  }
0x36: {  	p1 =	seq.s32 s10, $0x1;
	s10 =	sld [smem:$0x3FA9];
	_ =	sdelay $0x3  }
0x37: {  	[smem:$0x3FA9] =	sst s10  }
0x38: {  	s10 =	sld [smem:$0x3FAA]  }
0x39: {  	_ = 	snop;
	(pc) =	sbr.ind lr, $3  }
0x3a: {  	_ = 	snop  }
0x3b: {  	_ = 	snop  }
0x3c: {  	p2 =	seq.s32 s10, $0x1;
	s10 =	sld [smem:$0x3FA9]  }
0x3d: {  	_ =	shalt  }
0x3e: {  	_ =	shalt  }
0x3f: {  	_ =	shalt  }
0x40: {  	_ =	shalt  }
0x41: {  	_ =	shalt  }
0x42: {  	_ =	shalt  }
0x43: {  	_ =	shalt  }
0x44: {  	_ =	shalt  }
0x45: {  	_ =	shalt  }
0x46: {  	_ =	shalt  }
0x47: {  	_ =	shalt  }
0x48: {  	_ =	shalt  }
0x49: {  	_ =	shalt  }
0x4a: {  	_ =	shalt  }
0x4b: {  	_ =	shalt  }
0x4c: {  	_ =	shalt  }
0x4d: {  	_ =	shalt  }
0x4e: {  	_ =	shalt  }
0x4f: {  	_ =	shalt  }
0x50: {  	_ =	shalt  }
0x51: {  	_ =	shalt  }
0x52: {  	_ =	shalt  }
0x53: {  	_ =	shalt  }
0x54: {  	_ =	shalt  }
0x55: {  	_ =	shalt  }
0x56: {  	_ =	shalt  }
0x57: {  	_ =	shalt  }
0x58: {  	_ =	shalt  }
0x59: {  	_ =	shalt  }
0x5a: {  	_ =	shalt  }
0x5b: {  	_ =	shalt  }
0x5c: {  	_ =	shalt  }
0x5d: {  	_ =	shalt  }
0x5e: {  	_ =	shalt  }
0x5f: {  	_ =	shalt  }
0x60: {  	_ =	shalt  }
0x61: {  	_ =	shalt  }
0x62: {  	_ =	shalt  }
0x63: {  	_ =	shalt  }
0x64: {  	_ =	shalt  }
0x65: {  	_ =	shalt  }
0x66: {  	_ =	shalt  }
0x67: {  	_ =	shalt  }
0x68: {  	_ =	shalt  }
0x69: {  	_ =	shalt  }
0x6a: {  	_ =	shalt  }
0x6b: {  	_ =	shalt  }
0x6c: {  	_ =	shalt  }
0x6d: {  	_ =	shalt  }
0x6e: {  	_ =	shalt  }
0x6f: {  	_ =	shalt  }
0x70: {  	_ =	shalt  }
0x71: {  	_ =	shalt  }
0x72: {  	_ =	shalt  }
0x73: {  	_ =	shalt  }
0x74: {  	_ =	shalt  }
0x75: {  	_ =	shalt  }
0x76: {  	_ =	shalt  }
0x77: {  	_ =	shalt  }
0x78: {  	_ =	shalt  }
0x79: {  	_ =	shalt  }
0x7a: {  	_ =	shalt  }
0x7b: {  	_ =	shalt  }
0x7c: {  	_ =	shalt  }
0x7d: {  	_ =	shalt  }
0x7e: {  	_ =	shalt  }
0x7f: {  	_ =	shalt  }
0x80: {  	_ =	shalt  }
0x81: {  	_ =	shalt  }
0x82: {  	_ =	shalt  }
0x83: {  	_ =	shalt  }
0x84: {  	_ =	shalt  }
0x85: {  	_ =	shalt  }
0x86: {  	_ =	shalt  }
0x87: {  	_ =	shalt  }
.Lfunc_end0:
.L_simem_size_0:
called_computation_lowered:
.L_overlay_start_0:
0x88: {  	s2 =	sld [smem:$0x3FD9]  }
0x89: {  	s3 =	sld [smem:$0x3FFE];
	_ =	sdelay $0x1  }
0x8a: {  	s1 =	srdreg.scid  }
0x8b: {  	s0 =	sand.u32 $0x1, s1  }
0x8c: {  	s16 =	sshll.u32 s0, $0xA;
	s2 =	sadd.s32 s3, s2  }
0x8d: {  	s2 =	sadd.s32 s2, s16  }
0x8e: {  	[smem:$0x3FB5] =	sst s2  }
0x8f: {  	_ = 	snop  }
0x90: {  	(tm) =	ssettm $0x1  }
0x91: {  	s17 =	sld [smem:$0x3FFB];
	_ =	sdelay $0x3  }
0x92: {  	_ =	strace s17  }
0x93: {  	s2 =	sld [smem:$0x3FFC];
	_ =	sdelay $0x3  }
0x94: {  	_ =	strace s2  }
0x95: {  	s2 =	sld [smem:$0x3FFD];
	_ =	sdelay $0x3  }
0x96: {  	_ =	strace s2  }
0x97: {  	_ =	strace $0x8FFFFFFF  }
0x98: {  	s18 =	sld [smem:$0x3FDB];
	_ =	sdelay $0x1  }
0x99: {  	s19 =	simm.s32 $_scs_section_size  }
0x9a: {  	s4 =	simm.s32 $_size__tile_overlayer_lowered;
	s5 =	simm.s32 $_tile_overlayer_lowered  }
0x9b: {  	s22 =	simm.s32 $0x1BFF;
	s21 =	sshll.u32 s5, $0x1;
	s2 =	sadd.s32 s19, s18  }
0x9c: {  	s6 =	simm.s32 $0x0;
	s20 =	sshll.u32 s4, $0x1;
	s4 =	sadd.s32 s21, s2  }
0x9d: {  	[timem:s6], [sflag:s22] =	dma.local [hbm:s4], s20  }
0x9e: {  	_ =	swait.ge [sflag:s22], s20  }
0x9f: {  	s3 =	ssub.s32 $0x0, s20;
	[sflag:s22] =	ssyncset.done $0x0  }
0xa0: {  	[sflag:s22] =	ssyncadd.s32 s3;
	_ =	sdelay $0x1  }
0xa1: {  	s23 =	simm.s32 $0x1B8B  }
0xa2: {  	_ =	swait.ge [sflag:s23], $0x1  }
0xa3: {  	[sflag:s23] =	ssyncset.done $0x0  }
0xa4: {  	s25 =	simm.s32 $0x1B8E;
	s24 =	sld [smem:$0x3FFE];
	[sflag:s23] =	ssyncadd.s32 $0xFFFFFFFF  }
0xa5: {  	s26 =	simm.s32 $execute0_lowered;
	[smem:$0x3FD2] =	sst s25  }
0xa6: {  	s4 =	sshll.u32 s26, $0x1;
	_ =	strace $0x80000046;
	[dreg:$0x1] =	wrdreg $0xFFFFFFFF  }
0xa7: {  	s28 =	simm.s32 $_size_execute0_lowered;
	s2 =	sadd.s32 s2, s4;
	[dreg:$0x0] =	wrdreg $0x0  }
0xa8: {  	s4 =	sshll.u32 s28, $0x1;
	[dreg:$0x2] =	wrdreg s2  }
0xa9: {  	[dreg:$0x3] =	wrdreg s4  }
0xaa: {  	[dreg:$0x4] =	wrdreg $0xC0  }
0xab: {  	_ =	task [dreg:s6], $0x5FFFF  }
0xac: {  	[dreg:$0x1] =	wrdreg $0xFFFFFFFF  }
0xad: {  	[dreg:$0x0] =	wrdreg $0x60  }
0xae: {  	[dreg:$0x2] =	wrdreg s24  }
0xaf: {  	[dreg:$0x3] =	wrdreg $0x70000  }
0xb0: {  	[dreg:$0x4] =	wrdreg $0x9  }
0xb1: {  	_ =	task.clear_ibuf [dreg:s6], $0x5FFFF;
	_ =	strace $0x90000046  }
0xb2: {  	s29 =	simm.s32 $0x9;
	_ =	strace $0x80000048  }
0xb3: {  	_ =	swait.ge [sflag:s29], $0x1  }
0xb4: {  	[sflag:s29] =	ssyncadd.s32 $0xFFFFFFFF  }
0xb5: {  	_ =	strace $0x90000048  }
0xb6: {  	_ =	sfence  }
0xb7: {  	s30 =	sld [smem:$0x0];
	_ =	sdelay $0x2  }
0xb8: {  	s31 =	sshll.u32 s1, $0xD;
	s1 =	sshrl.u32 s1, $0x2  }
0xb9: {  	s3 =	sand.u32 $0x4000, s31;
	s1 =	sadd.s32 s1, s30  }
0xba: {  	s0 =	sor.u32 s3, s0;
	s1 =	sshll.u32 s1, $0x11  }
0xbb: {  	s0 =	sor.u32 s1, s0  }
0xbc: {  	s0 =	sadd.s32 $0x8F2B, s0  }
0xbd: {  	[sflag:s0] =	ssyncadd.remote.s32 $0x1  }
0xbe: {  	_ =	sfence.sel $0xFFFF  }
0xbf: {  	[dreg:$0x0] =	wrdreg $0xFFFFFFFF;
	(pc) =	sbr.abs _section_cstart, $3  }
0xc0: {  	[dreg:$0x1] =	wrdreg $0xFFFFFFFF  }
0xc1: {  	_ =	task.clear_ibuf [dreg:s6], $0x2FFFF;
	_ =	strace $0x9FFFFFFF  }
0xc2: {  	(tm) =	ssettm $0x7FFFFFFF  }
0xc3: {  	_ =	shalt  }
tec
execute0_lowered:
.L_overlay_start_1:
0x0: {  	(tag) =	ssettag $0x1  }
0x1: {  	s8 =	rddreg [dreg:$0x0]  }
0x2: {  	s0 =	srdreg.scid;
	s2 =	rddreg [dreg:$0x1]  }
0x3: {  	s1 =	stileid.u32;
	s3 =	simm.s32 $0x0;
	s15 =	simm.s32 $0x6000  }
0x4: {  	s16 =	simm.s32 $0x1;
	s17 =	simm.s32 $0x2;
	s18 =	simm.s32 $0x3  }
0x5: {  	s19 =	simm.s32 $0x4;
	s6 =	sand.u32 $0x1, s0;
	s0 =	rddreg [dreg:$0x2]  }
0x6: {  	[smem:$0x7FF] =	sst s3;
	s5 =	sadd.s32 $0x1C600, s8;
	s10 =	smul.u32 $0x2800, s1  }
0x7: {  	s13 =	sshll.u32 s1, $0x6;
	s31 =	sadd.s32 $0xD600, s8;
	s4 =	sshll.u32 s6, $0x4  }
0x8: {  	_ =	strace $0x80000047;
	s9 =	smul.u32 $0x5000, s6;
	s6 =	ssub.s32 $0x2, s6  }
0x9: {  	s4 =	sor.u32 s1, s4;
	s12 =	sshrl.u32 s6, $0x1;
	s14 =	sadd.s32 s10, s2  }
0xa: {  	s21 =	sshrl.u32 s10, $0x3;
	s10 =	simm.s32 $0x5;
	s11 =	smul.u32 $0x500, s4  }
0xb: {  	s4 =	sadd.s32 $0x17600, s8;
	s9 =	sadd.s32 s9, s8;
	s12 =	ssub.s32 s6, s12  }
0xc: {  	s6 =	sor.u32 $0x1C05, s13;
	s13 =	simm.s32 $0x100;
	s20 =	sadd.s32 $0x1CC00, s9  }
0xd: {  	s9 =	sshrl.u32 s14, $0x3;
	s14 =	simm.s32 $0x5000;
	s7 =	sadd.s32 s11, s8  }
0xe: {  	s8 =	smax.u32 s12, $0x1;
	s11 =	sadd.s32 s11, s31;
	s12 =	simm.s32 $0x2800  }
0xf: {  	s20 =	sadd.s32 s21, s20;
	s21 =	simm.s32 $0x0;
	s7 =	sadd.s32 $0x3600, s7  }
.LBB2_1:
0x10: {  	[spmem:s9], [sflag:s6] =	dma.local [hbm:s5], $0x500  }
0x11: {  	_ =	swait.ge [sflag:s10], $0x500  }
0x12: {  	[sflag:s10] =	ssyncset.done $0x0  }
0x13: {  	[sflag:s10] =	ssyncadd.s32 $0xFFFFFB00  }
0x14: {  	[tilespmem:s3], [sflag:$0x5] =	stream.linear.gather [hbm4b:s7+s3], $0x2800, $0x38;
	[tilespmem:$0x9800] =	vst v63  }
0x15: {  	_ =	swait.ge [sflag:s10], $0x2800  }
0x16: {  	[sflag:s10] =	ssyncset.done $0x0  }
0x17: {  	[sflag:s10] =	ssyncadd.s32 $0xFFFFD800  }
0x18: {  	[tilespmem:s12], [sflag:$0x5] =	stream.linear.gather [hbm4b:s11+s3], $0x2800, $0x38;
	[tilespmem:$0x9800] =	vst v63  }
0x19: {  	_ =	swait.ge [sflag:s10], $0x2800  }
0x1a: {  	[sflag:s10] =	ssyncset.done $0x0  }
0x1b: {  	[sflag:s10] =	ssyncadd.s32 $0xFFFFD800  }
0x1c: {  	[bflag:$0x0] =	sbarrier.arrive $0xFFFF  }
0x1d: {  	[tilespmem:s14], [sflag:$0x1] =	stream.indirect.gather [hbm4b:s4+s13], $0x10, s3, s13, $0xb8;
	[tilespmem:$0x9800] =	vst v63  }
0x1e: {  	_ = 	snop  }
0x1f: {  	[tilespmem:s15], [sflag:$0x2] =	stream.indirect.gather [hbm4b:s4+s13], $0x10, s13, s13, $0xb8;
	[tilespmem:$0x9800] =	vst v63  }
0x20: {  	_ =	swait.ge [sflag:s16], $0x1000  }
0x21: {  	[sflag:s16] =	ssyncset.done $0x0  }
0x22: {  	s22 =	simm.s32 $0x2800;
	[sflag:s16] =	ssyncadd.s32 $0xFFFFF000  }
0x23: {  	[spmem:s2] =	stream.indirect.scatter.add.f32 [tilespmem:s14], [sflag:$0x3], $0x10, s22, s13, $0xb8;
	[tilespmem:$0x9800] =	vst v63  }
0x24: {  	_ =	swait.ge [sflag:s17], $0x1000  }
0x25: {  	[sflag:s17] =	ssyncset.done $0x0  }
0x26: {  	s30 =	simm.s32 $0x2900;
	[sflag:s17] =	ssyncadd.s32 $0xFFFFF000  }
0x27: {  	[spmem:s2] =	stream.indirect.scatter.add.f32 [tilespmem:s15], [sflag:$0x4], $0x10, s30, s13, $0xb8;
	[tilespmem:$0x9800] =	vst v63  }
0x28: {  	s31 =	smin.u32 s3, $0x24;
	_ =	swait.ge [sflag:s18], $0x1000  }
0x29: {  	s23 =	sshll.u32 s31, $0x8;
	[sflag:s18] =	ssyncset.done $0x0  }
0x2a: {  	s22 =	sadd.s32 $0x200, s23;
	[sflag:s18] =	ssyncadd.s32 $0xFFFFF000  }
0x2b: {  	[tilespmem:s14], [sflag:$0x1] =	stream.indirect.gather [hbm4b:s4+s13], $0x10, s22, s13, $0xb8;
	[tilespmem:$0x9800] =	vst v63  }
0x2c: {  	_ =	swait.ge [sflag:s19], $0x1000  }
0x2d: {  	s24 =	sadd.s32 $0x300, s23;
	[sflag:s19] =	ssyncset.done $0x0  }
0x2e: {  	s23 =	simm.s32 $0x2B00;
	s22 =	simm.s32 $0x2;
	[sflag:s19] =	ssyncadd.s32 $0xFFFFF000  }
.LBB2_2:
0x2f: {  	[tilespmem:s15], [sflag:$0x2] =	stream.indirect.gather [hbm4b:s4+s13], $0x10, s24, s13, $0xb8;
	[tilespmem:$0x9800] =	vst v63  }
0x30: {  	s24 =	smov.u32 s22  }
0x31: {  	p0 =	sne.s32 s22, $0x26;
	s22 =	sadd.s32 $0x2, s22;
	_ =	swait.ge [sflag:s16], $0x1000  }
0x32: {  	[sflag:s16] =	ssyncset.done $0x0  }
0x33: {  	s25 =	sadd.s32 $0xFFFFFF00, s23;
	[sflag:s16] =	ssyncadd.s32 $0xFFFFF000  }
0x34: {  	[spmem:s2] =	stream.indirect.scatter.add.f32 [tilespmem:s14], [sflag:$0x3], $0x10, s25, s13, $0xb8;
	[tilespmem:$0x9800] =	vst v63  }
0x35: {  	_ =	swait.ge [sflag:s17], $0x1000  }
0x36: {  	[sflag:s17] =	ssyncset.done $0x0  }
0x37: {  	[sflag:s17] =	ssyncadd.s32 $0xFFFFF000  }
0x38: {  	[spmem:s2] =	stream.indirect.scatter.add.f32 [tilespmem:s15], [sflag:$0x4], $0x10, s23, s13, $0xb8;
	[tilespmem:$0x9800] =	vst v63  }
0x39: {  	s24 =	smin.u32 s24, $0x24;
	_ =	swait.ge [sflag:s18], $0x1000  }
0x3a: {  	s24 =	sshll.u32 s24, $0x8;
	[sflag:s18] =	ssyncset.done $0x0  }
.Ltmp0:
0x3b: {  	s25 =	sadd.s32 $0x200, s24;
	[sflag:s18] =	ssyncadd.s32 $0xFFFFF000;
	(pc) =	sbr.rel @p0 .LBB2_2-.Ltmp0, $4  }
0x3c: {  	[tilespmem:s14], [sflag:$0x1] =	stream.indirect.gather [hbm4b:s4+s13], $0x10, s25, s13, $0xb8;
	[tilespmem:$0x9800] =	vst v63  }
0x3d: {  	_ =	swait.ge [sflag:s19], $0x1000  }
0x3e: {  	[sflag:s19] =	ssyncset.done $0x0  }
0x3f: {  	s24 =	sadd.s32 $0x300, s24;
	s23 =	sadd.s32 $0x200, s23;
	[sflag:s19] =	ssyncadd.s32 $0xFFFFF000  }
0x40: {  	[tilespmem:s15], [sflag:$0x2] =	stream.indirect.gather [hbm4b:s4+s13], $0x10, s24, s13, $0xb8;
	[tilespmem:$0x9800] =	vst v63  }
0x41: {  	_ =	swait.ge [sflag:s16], $0x1000  }
0x42: {  	[sflag:s16] =	ssyncset.done $0x0  }
0x43: {  	[sflag:s16] =	ssyncadd.s32 $0xFFFFF000  }
0x44: {  	_ =	swait.ge [sflag:s17], $0x1000  }
0x45: {  	s21 =	sadd.s32 $0x1, s21;
	[sflag:s17] =	ssyncset.done $0x0  }
0x46: {  	p0 =	sne.s32 s21, s8;
	[sflag:s17] =	ssyncadd.s32 $0xFFFFF000  }
.Ltmp1:
0x47: {  	[bflag:$0x0] =	sbarrier.arrive $0xFFFF;
	(pc) =	sbr.rel @p0 .LBB2_1-.Ltmp1, $4  }
0x48: {  	[hbm:s20], [sflag:s6] =	dma.local [spmem:s9], $0x500  }
0x49: {  	_ =	swait.ge [sflag:s10], $0x500  }
0x4a: {  	[sflag:s10] =	ssyncset.done $0x0  }
0x4b: {  	[sflag:s10] =	ssyncadd.s32 $0xFFFFFB00  }
0x4c: {  	_ =	sfence.sel $0x180000  }
0x4d: {  	[bflag:$0x0] =	sbarrier.arrive $0xFFFF  }
0x4e: {  	p0 =	sne.s32 s1, $0x0;
	_ =	strace $0x90000047  }
0x4f: {  	s0 =	sadd.s32 @!p0 $0x100000, s0;
	[bflag:$0x2] =	sbarrier.arrive $0xFFFF  }
0x50: {  	[sflag:s0] =	ssyncadd.tile.s32 @!p0 $0x1;
	_ =	shalt  }
.Lfunc_end2:
_tile_overlayer_lowered:
.L_overlay_start_2:
0x51: {  	(tag) =	ssettag $0x2  }
0x52: {  	s0 =	rddreg [dreg:$0x0];
	s2 =	stileid.u32  }
0x53: {  	s1 =	rddreg [dreg:$0x1];
	p0 =	sne.s32 s2, $0x0  }
0x54: {  	s3 =	rddreg [dreg:$0x2];
	[bflag:$0x3] =	sbarrier.arrive $0xFFFF;
	s2 =	simm.s32 @!p0 $0x1C05  }
0x55: {  	[timem:s3], [sflag:s2] =	dma.local @!p0 [hbm:s0], s1  }
0x56: {  	s0 =	simm.s32 @!p0 $0x5  }
0x57: {  	_ =	swait.ge @!p0 [sflag:s0], s1  }
0x58: {  	s1 =	ssub.s32 @!p0 $0x0, s1;
	[sflag:s0] =	ssyncset.done @!p0 $0x0  }
0x59: {  	[sflag:s0] =	ssyncadd.s32 @!p0 s1  }
0x5a: {  	[bflag:$0x3] =	sbarrier.arrive $0xFFFF  }
0x5b: {  	_ =	shalt  }

// kernel: kernel.14.cloned.1.call-start
scs
__scs_entry_jumppad:
0x0: {  	(pc) =	sbr.rel $0x88, $3  }
0x1: {  	(tag) =	ssettag $0x0;
	lr =	simm.s32 $0x1  }
0x2: {  	[smem:$0x3F8E] =	sst lr;
	_ =	strace $0xD0000000  }
0x3: {  	_ = 	snop  }
0x4: {  	_ = 	snop  }
0x5: {  	_ = 	snop  }
0x6: {  	_ = 	snop  }
0x7: {  	_ = 	snop  }
__scs_overlays_trampoline_lowered:
0x8: {  	[smem:$0x3F9D] =	sst s0  }
0x9: {  	[smem:$0x3F9E] =	sst s1  }
0xa: {  	[smem:$0x3F9F] =	sst s2  }
0xb: {  	[smem:$0x3FA0] =	sst s3  }
0xc: {  	[smem:$0x3FA1] =	sst s4  }
0xd: {  	[smem:$0x3FA2] =	sst s5  }
0xe: {  	[smem:$0x3FA3] =	sst s6  }
0xf: {  	[smem:$0x3FA4] =	sst s7  }
0x10: {  	[smem:$0x3FA5] =	sst s8  }
0x11: {  	[smem:$0x3FA6] =	sst s9;
	s0 =	simm.s32 @!p0 $0x0  }
0x12: {  	s1 =	sld [smem:$0x3F8C];
	s0 =	simm.s32 @p0 $0x1  }
0x13: {  	[smem:$0x3FA7] =	sst s0;
	s0 =	simm.s32 @!p1 $0x0  }
0x14: {  	s2 =	sld [smem:$0x3F8B];
	s0 =	simm.s32 @p1 $0x1  }
0x15: {  	[smem:$0x3FA8] =	sst s0;
	s0 =	simm.s32 @!p2 $0x0  }
0x16: {  	s3 =	sld [smem:$0x3FDB];
	s0 =	simm.s32 @p2 $0x1  }
0x17: {  	s4 =	simm.s32 $0x1BF5;
	[smem:$0x3FAA] =	sst s0  }
0x18: {  	s0 =	sld [smem:$0x3F8D];
	_ =	swait.ge [sflag:s4], $0x0  }
0x19: {  	s7 =	sld [smem:$0x3F8E]  }
0x1a: {  	s8 =	sadd.s32 $0xFFFFE003, lr  }
0x1b: {  	s9 =	sadd.s32 $0xFFFFFEF7, lr;
	s5 =	simm.s32 $0xFFFFFFFF;
	p2 =	slt.u32 s8, $0xFFFFF086  }
0x1c: {  	p1 =	slt.u32 s9, $0xF7A;
	s5 =	simm.s32 @!p2 $0x0  }
0x1d: {  	s5 =	simm.s32 @p1 $0x1;
	p0 =	seq.s32 s7, s2  }
0x1e: {  	s7 =	smul.u32 @!p0 $0xF7A, s2;
	p2 =	seq.s32 @!p0 s5, $0x0  }
0x1f: {  	s9 =	smul.u32 $0xF7A, s1;
	s8 =	simm.s32 @!p0 $0x1BF5;
	p2 =	por !p2, p0  }
0x20: {  	[sflag:s8] =	ssyncset.s32 @!p0 $0xFFFFF086;
	s6 =	sadd.s32 @!p0 s3, s7;
	s7 =	simm.s32 @!p0 $0x108  }
0x21: {  	s3 =	sadd.s32 s3, s9;
	s6 =	sadd.s32 @!p0 $0x88, s6;
	s7 =	simm.s32 @p2 $0x1082  }
0x22: {  	[simem:s7], [sflag:s8] =	dma.local @!p0 [hbm:s6], $0xF7A  }
0x23: {  	s9 =	sor.u32 $0xD0000000, s2;
	s6 =	simm.s32 $0x108;
	_ =	swait.ge @!p0 [sflag:s8], $0x0  }
0x24: {  	s3 =	sadd.s32 $0x88, s3;
	s6 =	simm.s32 @!p1 $0x1082;
	[sflag:s4] =	ssyncset.s32 $0xFFFFF086  }
0x25: {  	[simem:s6], [sflag:s4] =	dma.local [hbm:s3], $0xF7A  }
0x26: {  	[smem:$0x3F8E] =	sst s1;
	(tag) =	ssettag s2;
	_ =	strace s9  }
0x27: {  	s1 =	sld [smem:$0x3F9E]  }
0x28: {  	s2 =	sld [smem:$0x3F9F]  }
0x29: {  	s4 =	sld [smem:$0x3FA1]  }
0x2a: {  	p0 =	seq.s32 s5, $0x0;
	s5 =	sld [smem:$0x3FA2]  }
0x2b: {  	s6 =	sld [smem:$0x3FA3]  }
0x2c: {  	s7 =	sld [smem:$0x3FA4]  }
0x2d: {  	s3 =	simm.s32 $0x108;
	s8 =	sld [smem:$0x3FA5]  }
0x2e: {  	s3 =	simm.s32 @!p0 $0x1082;
	s9 =	sld [smem:$0x3FA6]  }
0x2f: {  	lr =	sadd.s32 s0, s3;
	s0 =	sld [smem:$0x3F9D]  }
0x30: {  	s3 =	sld [smem:$0x3FA0]  }
0x31: {  	[smem:$0x3FA9] =	sst s10  }
0x32: {  	s10 =	sld [smem:$0x3FA7];
	_ =	sdelay $0x3  }
0x33: {  	p0 =	seq.s32 s10, $0x1;
	s10 =	sld [smem:$0x3FA9];
	_ =	sdelay $0x3  }
0x34: {  	[smem:$0x3FA9] =	sst s10  }
0x35: {  	s10 =	sld [smem:$0x3FA8];
	_ =	sdelay $0x3  }
0x36: {  	p1 =	seq.s32 s10, $0x1;
	s10 =	sld [smem:$0x3FA9];
	_ =	sdelay $0x3  }
0x37: {  	[smem:$0x3FA9] =	sst s10  }
0x38: {  	s10 =	sld [smem:$0x3FAA]  }
0x39: {  	_ = 	snop;
	(pc) =	sbr.ind lr, $3  }
0x3a: {  	_ = 	snop  }
0x3b: {  	_ = 	snop  }
0x3c: {  	p2 =	seq.s32 s10, $0x1;
	s10 =	sld [smem:$0x3FA9]  }
0x3d: {  	_ =	shalt  }
0x3e: {  	_ =	shalt  }
0x3f: {  	_ =	shalt  }
0x40: {  	_ =	shalt  }
0x41: {  	_ =	shalt  }
0x42: {  	_ =	shalt  }
0x43: {  	_ =	shalt  }
0x44: {  	_ =	shalt  }
0x45: {  	_ =	shalt  }
0x46: {  	_ =	shalt  }
0x47: {  	_ =	shalt  }
0x48: {  	_ =	shalt  }
0x49: {  	_ =	shalt  }
0x4a: {  	_ =	shalt  }
0x4b: {  	_ =	shalt  }
0x4c: {  	_ =	shalt  }
0x4d: {  	_ =	shalt  }
0x4e: {  	_ =	shalt  }
0x4f: {  	_ =	shalt  }
0x50: {  	_ =	shalt  }
0x51: {  	_ =	shalt  }
0x52: {  	_ =	shalt  }
0x53: {  	_ =	shalt  }
0x54: {  	_ =	shalt  }
0x55: {  	_ =	shalt  }
0x56: {  	_ =	shalt  }
0x57: {  	_ =	shalt  }
0x58: {  	_ =	shalt  }
0x59: {  	_ =	shalt  }
0x5a: {  	_ =	shalt  }
0x5b: {  	_ =	shalt  }
0x5c: {  	_ =	shalt  }
0x5d: {  	_ =	shalt  }
0x5e: {  	_ =	shalt  }
0x5f: {  	_ =	shalt  }
0x60: {  	_ =	shalt  }
0x61: {  	_ =	shalt  }
0x62: {  	_ =	shalt  }
0x63: {  	_ =	shalt  }
0x64: {  	_ =	shalt  }
0x65: {  	_ =	shalt  }
0x66: {  	_ =	shalt  }
0x67: {  	_ =	shalt  }
0x68: {  	_ =	shalt  }
0x69: {  	_ =	shalt  }
0x6a: {  	_ =	shalt  }
0x6b: {  	_ =	shalt  }
0x6c: {  	_ =	shalt  }
0x6d: {  	_ =	shalt  }
0x6e: {  	_ =	shalt  }
0x6f: {  	_ =	shalt  }
0x70: {  	_ =	shalt  }
0x71: {  	_ =	shalt  }
0x72: {  	_ =	shalt  }
0x73: {  	_ =	shalt  }
0x74: {  	_ =	shalt  }
0x75: {  	_ =	shalt  }
0x76: {  	_ =	shalt  }
0x77: {  	_ =	shalt  }
0x78: {  	_ =	shalt  }
0x79: {  	_ =	shalt  }
0x7a: {  	_ =	shalt  }
0x7b: {  	_ =	shalt  }
0x7c: {  	_ =	shalt  }
0x7d: {  	_ =	shalt  }
0x7e: {  	_ =	shalt  }
0x7f: {  	_ =	shalt  }
0x80: {  	_ =	shalt  }
0x81: {  	_ =	shalt  }
0x82: {  	_ =	shalt  }
0x83: {  	_ =	shalt  }
0x84: {  	_ =	shalt  }
0x85: {  	_ =	shalt  }
0x86: {  	_ =	shalt  }
0x87: {  	_ =	shalt  }
.Lfunc_end0:
.L_simem_size_0:
called_computation.1_lowered:
.L_overlay_start_0:
0x88: {  	s2 =	sld [smem:$0x3FD9]  }
0x89: {  	s3 =	sld [smem:$0x3FFE];
	_ =	sdelay $0x1  }
0x8a: {  	s1 =	srdreg.scid  }
0x8b: {  	s0 =	sand.u32 $0x1, s1  }
0x8c: {  	s16 =	sshll.u32 s0, $0xA;
	s2 =	sadd.s32 s3, s2  }
0x8d: {  	s2 =	sadd.s32 s2, s16  }
0x8e: {  	[smem:$0x3FB5] =	sst s2  }
0x8f: {  	_ = 	snop  }
0x90: {  	(tm) =	ssettm $0x1  }
0x91: {  	s17 =	sld [smem:$0x3FFB];
	_ =	sdelay $0x3  }
0x92: {  	_ =	strace s17  }
0x93: {  	s2 =	sld [smem:$0x3FFC];
	_ =	sdelay $0x3  }
0x94: {  	_ =	strace s2  }
0x95: {  	s2 =	sld [smem:$0x3FFD];
	_ =	sdelay $0x3  }
0x96: {  	_ =	strace s2  }
0x97: {  	_ =	strace $0x8FFFFFFF  }
0x98: {  	s18 =	sld [smem:$0x3FDB];
	_ =	sdelay $0x1  }
0x99: {  	s19 =	simm.s32 $_scs_section_size  }
0x9a: {  	s4 =	simm.s32 $_size__tile_overlayer_lowered;
	s5 =	simm.s32 $_tile_overlayer_lowered  }
0x9b: {  	s22 =	simm.s32 $0x1BFF;
	s21 =	sshll.u32 s5, $0x1;
	s2 =	sadd.s32 s19, s18  }
0x9c: {  	s6 =	simm.s32 $0x0;
	s20 =	sshll.u32 s4, $0x1;
	s4 =	sadd.s32 s21, s2  }
0x9d: {  	[timem:s6], [sflag:s22] =	dma.local [hbm:s4], s20  }
0x9e: {  	_ =	swait.ge [sflag:s22], s20  }
0x9f: {  	s3 =	ssub.s32 $0x0, s20;
	[sflag:s22] =	ssyncset.done $0x0  }
0xa0: {  	[sflag:s22] =	ssyncadd.s32 s3;
	_ =	sdelay $0x1  }
0xa1: {  	s23 =	simm.s32 $0x1B8B  }
0xa2: {  	_ =	swait.ge [sflag:s23], $0x1  }
0xa3: {  	[sflag:s23] =	ssyncset.done $0x0  }
0xa4: {  	s25 =	simm.s32 $0x1B8E;
	s24 =	sld [smem:$0x3FFE];
	[sflag:s23] =	ssyncadd.s32 $0xFFFFFFFF  }
0xa5: {  	s26 =	simm.s32 $execute0_lowered;
	[smem:$0x3FD2] =	sst s25  }
0xa6: {  	s4 =	sshll.u32 s26, $0x1;
	_ =	strace $0x80000049;
	[dreg:$0x1] =	wrdreg $0xFFFFFFFF  }
0xa7: {  	s28 =	simm.s32 $_size_execute0_lowered;
	s2 =	sadd.s32 s2, s4;
	[dreg:$0x0] =	wrdreg $0x0  }
0xa8: {  	s4 =	sshll.u32 s28, $0x1;
	[dreg:$0x2] =	wrdreg s2  }
0xa9: {  	[dreg:$0x3] =	wrdreg s4  }
0xaa: {  	[dreg:$0x4] =	wrdreg $0xC0  }
0xab: {  	_ =	task [dreg:s6], $0x5FFFF  }
0xac: {  	[dreg:$0x1] =	wrdreg $0xFFFFFFFF  }
0xad: {  	[dreg:$0x0] =	wrdreg $0x60  }
0xae: {  	[dreg:$0x2] =	wrdreg s24  }
0xaf: {  	[dreg:$0x3] =	wrdreg $0x90000  }
0xb0: {  	[dreg:$0x4] =	wrdreg $0x9  }
0xb1: {  	_ =	task.clear_ibuf [dreg:s6], $0x5FFFF;
	_ =	strace $0x90000049  }
0xb2: {  	s29 =	simm.s32 $0x9;
	_ =	strace $0x8000004B  }
0xb3: {  	_ =	swait.ge [sflag:s29], $0x1  }
0xb4: {  	[sflag:s29] =	ssyncadd.s32 $0xFFFFFFFF  }
0xb5: {  	_ =	strace $0x9000004B  }
0xb6: {  	_ =	sfence  }
0xb7: {  	s30 =	sld [smem:$0x0];
	_ =	sdelay $0x2  }
0xb8: {  	s31 =	sshll.u32 s1, $0xD;
	s1 =	sshrl.u32 s1, $0x2  }
0xb9: {  	s3 =	sand.u32 $0x4000, s31;
	s1 =	sadd.s32 s1, s30  }
0xba: {  	s0 =	sor.u32 s3, s0;
	s1 =	sshll.u32 s1, $0x11  }
0xbb: {  	s0 =	sor.u32 s1, s0  }
0xbc: {  	s0 =	sadd.s32 $0x8F2B, s0  }
0xbd: {  	[sflag:s0] =	ssyncadd.remote.s32 $0x1  }
0xbe: {  	_ =	sfence.sel $0xFFFF  }
0xbf: {  	[dreg:$0x0] =	wrdreg $0xFFFFFFFF;
	(pc) =	sbr.abs _section_cstart, $3  }
0xc0: {  	[dreg:$0x1] =	wrdreg $0xFFFFFFFF  }
0xc1: {  	_ =	task.clear_ibuf [dreg:s6], $0x2FFFF;
	_ =	strace $0x9FFFFFFF  }
0xc2: {  	(tm) =	ssettm $0x7FFFFFFF  }
0xc3: {  	_ =	shalt  }
tec
execute0_lowered:
.L_overlay_start_1:
0x0: {  	(tag) =	ssettag $0x1  }
0x1: {  	s8 =	rddreg [dreg:$0x0]  }
0x2: {  	s0 =	srdreg.scid;
	s2 =	rddreg [dreg:$0x1]  }
0x3: {  	s1 =	stileid.u32;
	s3 =	simm.s32 $0x0;
	s15 =	simm.s32 $0x7000  }
0x4: {  	s16 =	simm.s32 $0x1;
	s17 =	simm.s32 $0x2;
	s18 =	simm.s32 $0x3  }
0x5: {  	s19 =	simm.s32 $0x4;
	s6 =	sand.u32 $0x1, s0;
	s0 =	rddreg [dreg:$0x2]  }
0x6: {  	[smem:$0x7FF] =	sst s3;
	s5 =	sadd.s32 $0x21600, s8;
	s10 =	smul.u32 $0x5000, s1  }
0x7: {  	s13 =	sshll.u32 s1, $0x6;
	s31 =	sadd.s32 $0xD600, s8;
	s4 =	sshll.u32 s6, $0x4  }
0x8: {  	_ =	strace $0x8000004A;
	s9 =	smul.u32 $0xA000, s6;
	s6 =	ssub.s32 $0x2, s6  }
0x9: {  	s4 =	sor.u32 s1, s4;
	s12 =	sshrl.u32 s6, $0x1;
	s14 =	sadd.s32 s10, s2  }
0xa: {  	s21 =	sshrl.u32 s10, $0x3;
	s10 =	simm.s32 $0x5;
	s11 =	smul.u32 $0x500, s4  }
0xb: {  	s4 =	sadd.s32 $0x17600, s8;
	s9 =	sadd.s32 s9, s8;
	s12 =	ssub.s32 s6, s12  }
0xc: {  	s6 =	sor.u32 $0x1C05, s13;
	s13 =	simm.s32 $0x100;
	s20 =	sadd.s32 $0x22000, s9  }
0xd: {  	s9 =	sshrl.u32 s14, $0x3;
	s14 =	simm.s32 $0x5000;
	s7 =	sadd.s32 s11, s8  }
0xe: {  	s8 =	smax.u32 s12, $0x1;
	s11 =	sadd.s32 s11, s31;
	s12 =	simm.s32 $0x2800  }
0xf: {  	s20 =	sadd.s32 s21, s20;
	s21 =	simm.s32 $0x0;
	s7 =	sadd.s32 $0x3600, s7  }
.LBB2_1:
0x10: {  	[spmem:s9], [sflag:s6] =	dma.local [hbm:s5], $0xA00  }
0x11: {  	_ =	swait.ge [sflag:s10], $0xA00  }
0x12: {  	[sflag:s10] =	ssyncset.done $0x0  }
0x13: {  	[sflag:s10] =	ssyncadd.s32 $0xFFFFF600  }
0x14: {  	[tilespmem:s3], [sflag:$0x5] =	stream.linear.gather [hbm4b:s7+s3], $0x2800, $0x38;
	[tilespmem:$0xE000] =	vst v63  }
0x15: {  	_ =	swait.ge [sflag:s10], $0x2800  }
0x16: {  	[sflag:s10] =	ssyncset.done $0x0  }
0x17: {  	[sflag:s10] =	ssyncadd.s32 $0xFFFFD800  }
0x18: {  	[tilespmem:s12], [sflag:$0x5] =	stream.linear.gather [hbm4b:s11+s3], $0x2800, $0x38;
	[tilespmem:$0xE000] =	vst v63  }
0x19: {  	_ =	swait.ge [sflag:s10], $0x2800  }
0x1a: {  	[sflag:s10] =	ssyncset.done $0x0  }
0x1b: {  	[sflag:s10] =	ssyncadd.s32 $0xFFFFD800  }
0x1c: {  	[bflag:$0x0] =	sbarrier.arrive $0xFFFF  }
0x1d: {  	[tilespmem:s14], [sflag:$0x1] =	stream.indirect.gather [hbm4b:s4+s13], $0x20, s3, s13, $0xb8;
	[tilespmem:$0xE000] =	vst v63  }
0x1e: {  	_ = 	snop  }
0x1f: {  	[tilespmem:s15], [sflag:$0x2] =	stream.indirect.gather [hbm4b:s4+s13], $0x20, s13, s13, $0xb8;
	[tilespmem:$0xE000] =	vst v63  }
0x20: {  	_ =	swait.ge [sflag:s16], $0x2000  }
0x21: {  	[sflag:s16] =	ssyncset.done $0x0  }
0x22: {  	s22 =	simm.s32 $0x2800;
	[sflag:s16] =	ssyncadd.s32 $0xFFFFE000  }
0x23: {  	[spmem:s2] =	stream.indirect.scatter.add.f32 [tilespmem:s14], [sflag:$0x3], $0x20, s22, s13, $0xb8;
	[tilespmem:$0xE000] =	vst v63  }
0x24: {  	_ =	swait.ge [sflag:s17], $0x2000  }
0x25: {  	[sflag:s17] =	ssyncset.done $0x0  }
0x26: {  	s30 =	simm.s32 $0x2900;
	[sflag:s17] =	ssyncadd.s32 $0xFFFFE000  }
0x27: {  	[spmem:s2] =	stream.indirect.scatter.add.f32 [tilespmem:s15], [sflag:$0x4], $0x20, s30, s13, $0xb8;
	[tilespmem:$0xE000] =	vst v63  }
0x28: {  	s31 =	smin.u32 s3, $0x24;
	_ =	swait.ge [sflag:s18], $0x2000  }
0x29: {  	s23 =	sshll.u32 s31, $0x8;
	[sflag:s18] =	ssyncset.done $0x0  }
0x2a: {  	s22 =	sadd.s32 $0x200, s23;
	[sflag:s18] =	ssyncadd.s32 $0xFFFFE000  }
0x2b: {  	[tilespmem:s14], [sflag:$0x1] =	stream.indirect.gather [hbm4b:s4+s13], $0x20, s22, s13, $0xb8;
	[tilespmem:$0xE000] =	vst v63  }
0x2c: {  	_ =	swait.ge [sflag:s19], $0x2000  }
0x2d: {  	s24 =	sadd.s32 $0x300, s23;
	[sflag:s19] =	ssyncset.done $0x0  }
0x2e: {  	s23 =	simm.s32 $0x2B00;
	s22 =	simm.s32 $0x2;
	[sflag:s19] =	ssyncadd.s32 $0xFFFFE000  }
.LBB2_2:
0x2f: {  	[tilespmem:s15], [sflag:$0x2] =	stream.indirect.gather [hbm4b:s4+s13], $0x20, s24, s13, $0xb8;
	[tilespmem:$0xE000] =	vst v63  }
0x30: {  	s24 =	smov.u32 s22  }
0x31: {  	p0 =	sne.s32 s22, $0x26;
	s22 =	sadd.s32 $0x2, s22;
	_ =	swait.ge [sflag:s16], $0x2000  }
0x32: {  	[sflag:s16] =	ssyncset.done $0x0  }
0x33: {  	s25 =	sadd.s32 $0xFFFFFF00, s23;
	[sflag:s16] =	ssyncadd.s32 $0xFFFFE000  }
0x34: {  	[spmem:s2] =	stream.indirect.scatter.add.f32 [tilespmem:s14], [sflag:$0x3], $0x20, s25, s13, $0xb8;
	[tilespmem:$0xE000] =	vst v63  }
0x35: {  	_ =	swait.ge [sflag:s17], $0x2000  }
0x36: {  	[sflag:s17] =	ssyncset.done $0x0  }
0x37: {  	[sflag:s17] =	ssyncadd.s32 $0xFFFFE000  }
0x38: {  	[spmem:s2] =	stream.indirect.scatter.add.f32 [tilespmem:s15], [sflag:$0x4], $0x20, s23, s13, $0xb8;
	[tilespmem:$0xE000] =	vst v63  }
0x39: {  	s24 =	smin.u32 s24, $0x24;
	_ =	swait.ge [sflag:s18], $0x2000  }
0x3a: {  	s24 =	sshll.u32 s24, $0x8;
	[sflag:s18] =	ssyncset.done $0x0  }
.Ltmp0:
0x3b: {  	s25 =	sadd.s32 $0x200, s24;
	[sflag:s18] =	ssyncadd.s32 $0xFFFFE000;
	(pc) =	sbr.rel @p0 .LBB2_2-.Ltmp0, $4  }
0x3c: {  	[tilespmem:s14], [sflag:$0x1] =	stream.indirect.gather [hbm4b:s4+s13], $0x20, s25, s13, $0xb8;
	[tilespmem:$0xE000] =	vst v63  }
0x3d: {  	_ =	swait.ge [sflag:s19], $0x2000  }
0x3e: {  	[sflag:s19] =	ssyncset.done $0x0  }
0x3f: {  	s24 =	sadd.s32 $0x300, s24;
	s23 =	sadd.s32 $0x200, s23;
	[sflag:s19] =	ssyncadd.s32 $0xFFFFE000  }
0x40: {  	[tilespmem:s15], [sflag:$0x2] =	stream.indirect.gather [hbm4b:s4+s13], $0x20, s24, s13, $0xb8;
	[tilespmem:$0xE000] =	vst v63  }
0x41: {  	_ =	swait.ge [sflag:s16], $0x2000  }
0x42: {  	[sflag:s16] =	ssyncset.done $0x0  }
0x43: {  	[sflag:s16] =	ssyncadd.s32 $0xFFFFE000  }
0x44: {  	_ =	swait.ge [sflag:s17], $0x2000  }
0x45: {  	s21 =	sadd.s32 $0x1, s21;
	[sflag:s17] =	ssyncset.done $0x0  }
0x46: {  	p0 =	sne.s32 s21, s8;
	[sflag:s17] =	ssyncadd.s32 $0xFFFFE000  }
.Ltmp1:
0x47: {  	[bflag:$0x0] =	sbarrier.arrive $0xFFFF;
	(pc) =	sbr.rel @p0 .LBB2_1-.Ltmp1, $4  }
0x48: {  	[hbm:s20], [sflag:s6] =	dma.local [spmem:s9], $0xA00  }
0x49: {  	_ =	swait.ge [sflag:s10], $0xA00  }
0x4a: {  	[sflag:s10] =	ssyncset.done $0x0  }
0x4b: {  	[sflag:s10] =	ssyncadd.s32 $0xFFFFF600  }
0x4c: {  	_ =	sfence.sel $0x180000  }
0x4d: {  	[bflag:$0x0] =	sbarrier.arrive $0xFFFF  }
0x4e: {  	p0 =	sne.s32 s1, $0x0;
	_ =	strace $0x9000004A  }
0x4f: {  	s0 =	sadd.s32 @!p0 $0x100000, s0;
	[bflag:$0x2] =	sbarrier.arrive $0xFFFF  }
0x50: {  	[sflag:s0] =	ssyncadd.tile.s32 @!p0 $0x1;
	_ =	shalt  }
.Lfunc_end2:
_tile_overlayer_lowered:
.L_overlay_start_2:
0x51: {  	(tag) =	ssettag $0x2  }
0x52: {  	s0 =	rddreg [dreg:$0x0];
	s2 =	stileid.u32  }
0x53: {  	s1 =	rddreg [dreg:$0x1];
	p0 =	sne.s32 s2, $0x0  }
0x54: {  	s3 =	rddreg [dreg:$0x2];
	[bflag:$0x3] =	sbarrier.arrive $0xFFFF;
	s2 =	simm.s32 @!p0 $0x1C05  }
0x55: {  	[timem:s3], [sflag:s2] =	dma.local @!p0 [hbm:s0], s1  }
0x56: {  	s0 =	simm.s32 @!p0 $0x5  }
0x57: {  	_ =	swait.ge @!p0 [sflag:s0], s1  }
0x58: {  	s1 =	ssub.s32 @!p0 $0x0, s1;
	[sflag:s0] =	ssyncset.done @!p0 $0x0  }
0x59: {  	[sflag:s0] =	ssyncadd.s32 @!p0 s1  }
0x5a: {  	[bflag:$0x3] =	sbarrier.arrive $0xFFFF  }
0x5b: {  	_ =	shalt  }

// kernel: kernel.17.cloned.1.call-start
scs
__scs_entry_jumppad:
0x0: {  	(pc) =	sbr.rel $0x88, $3  }
0x1: {  	(tag) =	ssettag $0x0;
	lr =	simm.s32 $0x1  }
0x2: {  	[smem:$0x3F8E] =	sst lr;
	_ =	strace $0xD0000000  }
0x3: {  	_ = 	snop  }
0x4: {  	_ = 	snop  }
0x5: {  	_ = 	snop  }
0x6: {  	_ = 	snop  }
0x7: {  	_ = 	snop  }
__scs_overlays_trampoline_lowered:
0x8: {  	[smem:$0x3F9D] =	sst s0  }
0x9: {  	[smem:$0x3F9E] =	sst s1  }
0xa: {  	[smem:$0x3F9F] =	sst s2  }
0xb: {  	[smem:$0x3FA0] =	sst s3  }
0xc: {  	[smem:$0x3FA1] =	sst s4  }
0xd: {  	[smem:$0x3FA2] =	sst s5  }
0xe: {  	[smem:$0x3FA3] =	sst s6  }
0xf: {  	[smem:$0x3FA4] =	sst s7  }
0x10: {  	[smem:$0x3FA5] =	sst s8  }
0x11: {  	[smem:$0x3FA6] =	sst s9;
	s0 =	simm.s32 @!p0 $0x0  }
0x12: {  	s1 =	sld [smem:$0x3F8C];
	s0 =	simm.s32 @p0 $0x1  }
0x13: {  	[smem:$0x3FA7] =	sst s0;
	s0 =	simm.s32 @!p1 $0x0  }
0x14: {  	s2 =	sld [smem:$0x3F8B];
	s0 =	simm.s32 @p1 $0x1  }
0x15: {  	[smem:$0x3FA8] =	sst s0;
	s0 =	simm.s32 @!p2 $0x0  }
0x16: {  	s3 =	sld [smem:$0x3FDB];
	s0 =	simm.s32 @p2 $0x1  }
0x17: {  	s4 =	simm.s32 $0x1BF5;
	[smem:$0x3FAA] =	sst s0  }
0x18: {  	s0 =	sld [smem:$0x3F8D];
	_ =	swait.ge [sflag:s4], $0x0  }
0x19: {  	s7 =	sld [smem:$0x3F8E]  }
0x1a: {  	s8 =	sadd.s32 $0xFFFFE003, lr  }
0x1b: {  	s9 =	sadd.s32 $0xFFFFFEF7, lr;
	s5 =	simm.s32 $0xFFFFFFFF;
	p2 =	slt.u32 s8, $0xFFFFF086  }
0x1c: {  	p1 =	slt.u32 s9, $0xF7A;
	s5 =	simm.s32 @!p2 $0x0  }
0x1d: {  	s5 =	simm.s32 @p1 $0x1;
	p0 =	seq.s32 s7, s2  }
0x1e: {  	s7 =	smul.u32 @!p0 $0xF7A, s2;
	p2 =	seq.s32 @!p0 s5, $0x0  }
0x1f: {  	s9 =	smul.u32 $0xF7A, s1;
	s8 =	simm.s32 @!p0 $0x1BF5;
	p2 =	por !p2, p0  }
0x20: {  	[sflag:s8] =	ssyncset.s32 @!p0 $0xFFFFF086;
	s6 =	sadd.s32 @!p0 s3, s7;
	s7 =	simm.s32 @!p0 $0x108  }
0x21: {  	s3 =	sadd.s32 s3, s9;
	s6 =	sadd.s32 @!p0 $0x88, s6;
	s7 =	simm.s32 @p2 $0x1082  }
0x22: {  	[simem:s7], [sflag:s8] =	dma.local @!p0 [hbm:s6], $0xF7A  }
0x23: {  	s9 =	sor.u32 $0xD0000000, s2;
	s6 =	simm.s32 $0x108;
	_ =	swait.ge @!p0 [sflag:s8], $0x0  }
0x24: {  	s3 =	sadd.s32 $0x88, s3;
	s6 =	simm.s32 @!p1 $0x1082;
	[sflag:s4] =	ssyncset.s32 $0xFFFFF086  }
0x25: {  	[simem:s6], [sflag:s4] =	dma.local [hbm:s3], $0xF7A  }
0x26: {  	[smem:$0x3F8E] =	sst s1;
	(tag) =	ssettag s2;
	_ =	strace s9  }
0x27: {  	s1 =	sld [smem:$0x3F9E]  }
0x28: {  	s2 =	sld [smem:$0x3F9F]  }
0x29: {  	s4 =	sld [smem:$0x3FA1]  }
0x2a: {  	p0 =	seq.s32 s5, $0x0;
	s5 =	sld [smem:$0x3FA2]  }
0x2b: {  	s6 =	sld [smem:$0x3FA3]  }
0x2c: {  	s7 =	sld [smem:$0x3FA4]  }
0x2d: {  	s3 =	simm.s32 $0x108;
	s8 =	sld [smem:$0x3FA5]  }
0x2e: {  	s3 =	simm.s32 @!p0 $0x1082;
	s9 =	sld [smem:$0x3FA6]  }
0x2f: {  	lr =	sadd.s32 s0, s3;
	s0 =	sld [smem:$0x3F9D]  }
0x30: {  	s3 =	sld [smem:$0x3FA0]  }
0x31: {  	[smem:$0x3FA9] =	sst s10  }
0x32: {  	s10 =	sld [smem:$0x3FA7];
	_ =	sdelay $0x3  }
0x33: {  	p0 =	seq.s32 s10, $0x1;
	s10 =	sld [smem:$0x3FA9];
	_ =	sdelay $0x3  }
0x34: {  	[smem:$0x3FA9] =	sst s10  }
0x35: {  	s10 =	sld [smem:$0x3FA8];
	_ =	sdelay $0x3  }
0x36: {  	p1 =	seq.s32 s10, $0x1;
	s10 =	sld [smem:$0x3FA9];
	_ =	sdelay $0x3  }
0x37: {  	[smem:$0x3FA9] =	sst s10  }
0x38: {  	s10 =	sld [smem:$0x3FAA]  }
0x39: {  	_ = 	snop;
	(pc) =	sbr.ind lr, $3  }
0x3a: {  	_ = 	snop  }
0x3b: {  	_ = 	snop  }
0x3c: {  	p2 =	seq.s32 s10, $0x1;
	s10 =	sld [smem:$0x3FA9]  }
0x3d: {  	_ =	shalt  }
0x3e: {  	_ =	shalt  }
0x3f: {  	_ =	shalt  }
0x40: {  	_ =	shalt  }
0x41: {  	_ =	shalt  }
0x42: {  	_ =	shalt  }
0x43: {  	_ =	shalt  }
0x44: {  	_ =	shalt  }
0x45: {  	_ =	shalt  }
0x46: {  	_ =	shalt  }
0x47: {  	_ =	shalt  }
0x48: {  	_ =	shalt  }
0x49: {  	_ =	shalt  }
0x4a: {  	_ =	shalt  }
0x4b: {  	_ =	shalt  }
0x4c: {  	_ =	shalt  }
0x4d: {  	_ =	shalt  }
0x4e: {  	_ =	shalt  }
0x4f: {  	_ =	shalt  }
0x50: {  	_ =	shalt  }
0x51: {  	_ =	shalt  }
0x52: {  	_ =	shalt  }
0x53: {  	_ =	shalt  }
0x54: {  	_ =	shalt  }
0x55: {  	_ =	shalt  }
0x56: {  	_ =	shalt  }
0x57: {  	_ =	shalt  }
0x58: {  	_ =	shalt  }
0x59: {  	_ =	shalt  }
0x5a: {  	_ =	shalt  }
0x5b: {  	_ =	shalt  }
0x5c: {  	_ =	shalt  }
0x5d: {  	_ =	shalt  }
0x5e: {  	_ =	shalt  }
0x5f: {  	_ =	shalt  }
0x60: {  	_ =	shalt  }
0x61: {  	_ =	shalt  }
0x62: {  	_ =	shalt  }
0x63: {  	_ =	shalt  }
0x64: {  	_ =	shalt  }
0x65: {  	_ =	shalt  }
0x66: {  	_ =	shalt  }
0x67: {  	_ =	shalt  }
0x68: {  	_ =	shalt  }
0x69: {  	_ =	shalt  }
0x6a: {  	_ =	shalt  }
0x6b: {  	_ =	shalt  }
0x6c: {  	_ =	shalt  }
0x6d: {  	_ =	shalt  }
0x6e: {  	_ =	shalt  }
0x6f: {  	_ =	shalt  }
0x70: {  	_ =	shalt  }
0x71: {  	_ =	shalt  }
0x72: {  	_ =	shalt  }
0x73: {  	_ =	shalt  }
0x74: {  	_ =	shalt  }
0x75: {  	_ =	shalt  }
0x76: {  	_ =	shalt  }
0x77: {  	_ =	shalt  }
0x78: {  	_ =	shalt  }
0x79: {  	_ =	shalt  }
0x7a: {  	_ =	shalt  }
0x7b: {  	_ =	shalt  }
0x7c: {  	_ =	shalt  }
0x7d: {  	_ =	shalt  }
0x7e: {  	_ =	shalt  }
0x7f: {  	_ =	shalt  }
0x80: {  	_ =	shalt  }
0x81: {  	_ =	shalt  }
0x82: {  	_ =	shalt  }
0x83: {  	_ =	shalt  }
0x84: {  	_ =	shalt  }
0x85: {  	_ =	shalt  }
0x86: {  	_ =	shalt  }
0x87: {  	_ =	shalt  }
.Lfunc_end0:
.L_simem_size_0:
called_computation.2_lowered:
.L_overlay_start_0:
0x88: {  	s2 =	sld [smem:$0x3FD9]  }
0x89: {  	s3 =	sld [smem:$0x3FFE];
	_ =	sdelay $0x1  }
0x8a: {  	s1 =	srdreg.scid  }
0x8b: {  	s0 =	sand.u32 $0x1, s1  }
0x8c: {  	s16 =	sshll.u32 s0, $0xA;
	s2 =	sadd.s32 s3, s2  }
0x8d: {  	s2 =	sadd.s32 s2, s16  }
0x8e: {  	[smem:$0x3FB5] =	sst s2  }
0x8f: {  	_ = 	snop  }
0x90: {  	(tm) =	ssettm $0x1  }
0x91: {  	s17 =	sld [smem:$0x3FFB];
	_ =	sdelay $0x3  }
0x92: {  	_ =	strace s17  }
0x93: {  	s2 =	sld [smem:$0x3FFC];
	_ =	sdelay $0x3  }
0x94: {  	_ =	strace s2  }
0x95: {  	s2 =	sld [smem:$0x3FFD];
	_ =	sdelay $0x3  }
0x96: {  	_ =	strace s2  }
0x97: {  	_ =	strace $0x8FFFFFFF  }
0x98: {  	s18 =	sld [smem:$0x3FDB];
	_ =	sdelay $0x1  }
0x99: {  	s19 =	simm.s32 $_scs_section_size  }
0x9a: {  	s4 =	simm.s32 $_size__tile_overlayer_lowered;
	s5 =	simm.s32 $_tile_overlayer_lowered  }
0x9b: {  	s22 =	simm.s32 $0x1BFF;
	s21 =	sshll.u32 s5, $0x1;
	s2 =	sadd.s32 s19, s18  }
0x9c: {  	s6 =	simm.s32 $0x0;
	s20 =	sshll.u32 s4, $0x1;
	s4 =	sadd.s32 s21, s2  }
0x9d: {  	[timem:s6], [sflag:s22] =	dma.local [hbm:s4], s20  }
0x9e: {  	_ =	swait.ge [sflag:s22], s20  }
0x9f: {  	s3 =	ssub.s32 $0x0, s20;
	[sflag:s22] =	ssyncset.done $0x0  }
0xa0: {  	[sflag:s22] =	ssyncadd.s32 s3;
	_ =	sdelay $0x1  }
0xa1: {  	s23 =	simm.s32 $0x1B8B  }
0xa2: {  	_ =	swait.ge [sflag:s23], $0x1  }
0xa3: {  	[sflag:s23] =	ssyncset.done $0x0  }
0xa4: {  	s25 =	simm.s32 $0x1B8E;
	s24 =	sld [smem:$0x3FFE];
	[sflag:s23] =	ssyncadd.s32 $0xFFFFFFFF  }
0xa5: {  	s26 =	simm.s32 $execute0_lowered;
	[smem:$0x3FD2] =	sst s25  }
0xa6: {  	s4 =	sshll.u32 s26, $0x1;
	_ =	strace $0x8000004C;
	[dreg:$0x1] =	wrdreg $0xFFFFFFFF  }
0xa7: {  	s28 =	simm.s32 $_size_execute0_lowered;
	s2 =	sadd.s32 s2, s4;
	[dreg:$0x0] =	wrdreg $0x0  }
0xa8: {  	s4 =	sshll.u32 s28, $0x1;
	[dreg:$0x2] =	wrdreg s2  }
0xa9: {  	[dreg:$0x3] =	wrdreg s4  }
0xaa: {  	[dreg:$0x4] =	wrdreg $0xC0  }
0xab: {  	_ =	task [dreg:s6], $0x5FFFF  }
0xac: {  	[dreg:$0x1] =	wrdreg $0xFFFFFFFF  }
0xad: {  	[dreg:$0x0] =	wrdreg $0x60  }
0xae: {  	[dreg:$0x2] =	wrdreg s24  }
0xaf: {  	[dreg:$0x3] =	wrdreg $0xD0000  }
0xb0: {  	[dreg:$0x4] =	wrdreg $0x9  }
0xb1: {  	_ =	task.clear_ibuf [dreg:s6], $0x5FFFF;
	_ =	strace $0x9000004C  }
0xb2: {  	s29 =	simm.s32 $0x9;
	_ =	strace $0x8000004E  }
0xb3: {  	_ =	swait.ge [sflag:s29], $0x1  }
0xb4: {  	[sflag:s29] =	ssyncadd.s32 $0xFFFFFFFF  }
0xb5: {  	_ =	strace $0x9000004E  }
0xb6: {  	_ =	sfence  }
0xb7: {  	s30 =	sld [smem:$0x0];
	_ =	sdelay $0x2  }
0xb8: {  	s31 =	sshll.u32 s1, $0xD;
	s1 =	sshrl.u32 s1, $0x2  }
0xb9: {  	s3 =	sand.u32 $0x4000, s31;
	s1 =	sadd.s32 s1, s30  }
0xba: {  	s0 =	sor.u32 s3, s0;
	s1 =	sshll.u32 s1, $0x11  }
0xbb: {  	s0 =	sor.u32 s1, s0  }
0xbc: {  	s0 =	sadd.s32 $0x8F2B, s0  }
0xbd: {  	[sflag:s0] =	ssyncadd.remote.s32 $0x1  }
0xbe: {  	_ =	sfence.sel $0xFFFF  }
0xbf: {  	[dreg:$0x0] =	wrdreg $0xFFFFFFFF;
	(pc) =	sbr.abs _section_cstart, $3  }
0xc0: {  	[dreg:$0x1] =	wrdreg $0xFFFFFFFF  }
0xc1: {  	_ =	task.clear_ibuf [dreg:s6], $0x2FFFF;
	_ =	strace $0x9FFFFFFF  }
0xc2: {  	(tm) =	ssettm $0x7FFFFFFF  }
0xc3: {  	_ =	shalt  }
tec
execute0_lowered:
.L_overlay_start_1:
0x0: {  	(tag) =	ssettag $0x1  }
0x1: {  	s8 =	rddreg [dreg:$0x0]  }
0x2: {  	s0 =	srdreg.scid;
	s2 =	rddreg [dreg:$0x1]  }
0x3: {  	s1 =	stileid.u32;
	s3 =	simm.s32 $0x0;
	s15 =	simm.s32 $0x9000  }
0x4: {  	s16 =	simm.s32 $0x1;
	s17 =	simm.s32 $0x2;
	s18 =	simm.s32 $0x3  }
0x5: {  	s19 =	simm.s32 $0x4;
	s6 =	sand.u32 $0x1, s0;
	s0 =	rddreg [dreg:$0x2]  }
0x6: {  	[smem:$0x7FF] =	sst s3;
	s5 =	sadd.s32 $0x2B600, s8;
	s10 =	smul.u32 $0xA000, s1  }
0x7: {  	s13 =	sshll.u32 s1, $0x6;
	s31 =	sadd.s32 $0xD600, s8;
	s4 =	sshll.u32 s6, $0x4  }
0x8: {  	_ =	strace $0x8000004D;
	s9 =	smul.u32 $0x14000, s6;
	s6 =	ssub.s32 $0x2, s6  }
0x9: {  	s4 =	sor.u32 s1, s4;
	s12 =	sshrl.u32 s6, $0x1;
	s14 =	sadd.s32 s10, s2  }
0xa: {  	s21 =	sshrl.u32 s10, $0x3;
	s10 =	simm.s32 $0x5;
	s11 =	smul.u32 $0x500, s4  }
0xb: {  	s4 =	sadd.s32 $0x17600, s8;
	s9 =	sadd.s32 s9, s8;
	s12 =	ssub.s32 s6, s12  }
0xc: {  	s6 =	sor.u32 $0x1C05, s13;
	s13 =	simm.s32 $0x100;
	s20 =	sadd.s32 $0x2CA00, s9  }
0xd: {  	s9 =	sshrl.u32 s14, $0x3;
	s14 =	simm.s32 $0x5000;
	s7 =	sadd.s32 s11, s8  }
0xe: {  	s8 =	smax.u32 s12, $0x1;
	s11 =	sadd.s32 s11, s31;
	s12 =	simm.s32 $0x2800  }
0xf: {  	s20 =	sadd.s32 s21, s20;
	s21 =	simm.s32 $0x0;
	s7 =	sadd.s32 $0x3600, s7  }
.LBB2_1:
0x10: {  	[spmem:s9], [sflag:s6] =	dma.local [hbm:s5], $0x1400  }
0x11: {  	_ =	swait.ge [sflag:s10], $0x1400  }
0x12: {  	[sflag:s10] =	ssyncset.done $0x0  }
0x13: {  	[sflag:s10] =	ssyncadd.s32 $0xFFFFEC00  }
0x14: {  	[tilespmem:s3], [sflag:$0x5] =	stream.linear.gather [hbm4b:s7+s3], $0x2800, $0x38;
	[tilespmem:$0x17000] =	vst v63  }
0x15: {  	_ =	swait.ge [sflag:s10], $0x2800  }
0x16: {  	[sflag:s10] =	ssyncset.done $0x0  }
0x17: {  	[sflag:s10] =	ssyncadd.s32 $0xFFFFD800  }
0x18: {  	[tilespmem:s12], [sflag:$0x5] =	stream.linear.gather [hbm4b:s11+s3], $0x2800, $0x38;
	[tilespmem:$0x17000] =	vst v63  }
0x19: {  	_ =	swait.ge [sflag:s10], $0x2800  }
0x1a: {  	[sflag:s10] =	ssyncset.done $0x0  }
0x1b: {  	[sflag:s10] =	ssyncadd.s32 $0xFFFFD800  }
0x1c: {  	[bflag:$0x0] =	sbarrier.arrive $0xFFFF  }
0x1d: {  	[tilespmem:s14], [sflag:$0x1] =	stream.indirect.gather [hbm4b:s4+s13], $0x40, s3, s13, $0xb8;
	[tilespmem:$0x17000] =	vst v63  }
0x1e: {  	_ = 	snop  }
0x1f: {  	[tilespmem:s15], [sflag:$0x2] =	stream.indirect.gather [hbm4b:s4+s13], $0x40, s13, s13, $0xb8;
	[tilespmem:$0x17000] =	vst v63  }
0x20: {  	_ =	swait.ge [sflag:s16], $0x4000  }
0x21: {  	[sflag:s16] =	ssyncset.done $0x0  }
0x22: {  	s22 =	simm.s32 $0x2800;
	[sflag:s16] =	ssyncadd.s32 $0xFFFFC000  }
0x23: {  	[spmem:s2] =	stream.indirect.scatter.add.f32 [tilespmem:s14], [sflag:$0x3], $0x40, s22, s13, $0xb8;
	[tilespmem:$0x17000] =	vst v63  }
0x24: {  	_ =	swait.ge [sflag:s17], $0x4000  }
0x25: {  	[sflag:s17] =	ssyncset.done $0x0  }
0x26: {  	s30 =	simm.s32 $0x2900;
	[sflag:s17] =	ssyncadd.s32 $0xFFFFC000  }
0x27: {  	[spmem:s2] =	stream.indirect.scatter.add.f32 [tilespmem:s15], [sflag:$0x4], $0x40, s30, s13, $0xb8;
	[tilespmem:$0x17000] =	vst v63  }
0x28: {  	s31 =	smin.u32 s3, $0x24;
	_ =	swait.ge [sflag:s18], $0x4000  }
0x29: {  	s23 =	sshll.u32 s31, $0x8;
	[sflag:s18] =	ssyncset.done $0x0  }
0x2a: {  	s22 =	sadd.s32 $0x200, s23;
	[sflag:s18] =	ssyncadd.s32 $0xFFFFC000  }
0x2b: {  	[tilespmem:s14], [sflag:$0x1] =	stream.indirect.gather [hbm4b:s4+s13], $0x40, s22, s13, $0xb8;
	[tilespmem:$0x17000] =	vst v63  }
0x2c: {  	_ =	swait.ge [sflag:s19], $0x4000  }
0x2d: {  	s24 =	sadd.s32 $0x300, s23;
	[sflag:s19] =	ssyncset.done $0x0  }
0x2e: {  	s23 =	simm.s32 $0x2B00;
	s22 =	simm.s32 $0x2;
	[sflag:s19] =	ssyncadd.s32 $0xFFFFC000  }
.LBB2_2:
0x2f: {  	[tilespmem:s15], [sflag:$0x2] =	stream.indirect.gather [hbm4b:s4+s13], $0x40, s24, s13, $0xb8;
	[tilespmem:$0x17000] =	vst v63  }
0x30: {  	s24 =	smov.u32 s22  }
0x31: {  	p0 =	sne.s32 s22, $0x26;
	s22 =	sadd.s32 $0x2, s22;
	_ =	swait.ge [sflag:s16], $0x4000  }
0x32: {  	[sflag:s16] =	ssyncset.done $0x0  }
0x33: {  	s25 =	sadd.s32 $0xFFFFFF00, s23;
	[sflag:s16] =	ssyncadd.s32 $0xFFFFC000  }
0x34: {  	[spmem:s2] =	stream.indirect.scatter.add.f32 [tilespmem:s14], [sflag:$0x3], $0x40, s25, s13, $0xb8;
	[tilespmem:$0x17000] =	vst v63  }
0x35: {  	_ =	swait.ge [sflag:s17], $0x4000  }
0x36: {  	[sflag:s17] =	ssyncset.done $0x0  }
0x37: {  	[sflag:s17] =	ssyncadd.s32 $0xFFFFC000  }
0x38: {  	[spmem:s2] =	stream.indirect.scatter.add.f32 [tilespmem:s15], [sflag:$0x4], $0x40, s23, s13, $0xb8;
	[tilespmem:$0x17000] =	vst v63  }
0x39: {  	s24 =	smin.u32 s24, $0x24;
	_ =	swait.ge [sflag:s18], $0x4000  }
0x3a: {  	s24 =	sshll.u32 s24, $0x8;
	[sflag:s18] =	ssyncset.done $0x0  }
.Ltmp0:
0x3b: {  	s25 =	sadd.s32 $0x200, s24;
	[sflag:s18] =	ssyncadd.s32 $0xFFFFC000;
	(pc) =	sbr.rel @p0 .LBB2_2-.Ltmp0, $4  }
0x3c: {  	[tilespmem:s14], [sflag:$0x1] =	stream.indirect.gather [hbm4b:s4+s13], $0x40, s25, s13, $0xb8;
	[tilespmem:$0x17000] =	vst v63  }
0x3d: {  	_ =	swait.ge [sflag:s19], $0x4000  }
0x3e: {  	[sflag:s19] =	ssyncset.done $0x0  }
0x3f: {  	s24 =	sadd.s32 $0x300, s24;
	s23 =	sadd.s32 $0x200, s23;
	[sflag:s19] =	ssyncadd.s32 $0xFFFFC000  }
0x40: {  	[tilespmem:s15], [sflag:$0x2] =	stream.indirect.gather [hbm4b:s4+s13], $0x40, s24, s13, $0xb8;
	[tilespmem:$0x17000] =	vst v63  }
0x41: {  	_ =	swait.ge [sflag:s16], $0x4000  }
0x42: {  	[sflag:s16] =	ssyncset.done $0x0  }
0x43: {  	[sflag:s16] =	ssyncadd.s32 $0xFFFFC000  }
0x44: {  	_ =	swait.ge [sflag:s17], $0x4000  }
0x45: {  	s21 =	sadd.s32 $0x1, s21;
	[sflag:s17] =	ssyncset.done $0x0  }
0x46: {  	p0 =	sne.s32 s21, s8;
	[sflag:s17] =	ssyncadd.s32 $0xFFFFC000  }
.Ltmp1:
0x47: {  	[bflag:$0x0] =	sbarrier.arrive $0xFFFF;
	(pc) =	sbr.rel @p0 .LBB2_1-.Ltmp1, $4  }
0x48: {  	[hbm:s20], [sflag:s6] =	dma.local [spmem:s9], $0x1400  }
0x49: {  	_ =	swait.ge [sflag:s10], $0x1400  }
0x4a: {  	[sflag:s10] =	ssyncset.done $0x0  }
0x4b: {  	[sflag:s10] =	ssyncadd.s32 $0xFFFFEC00  }
0x4c: {  	_ =	sfence.sel $0x180000  }
0x4d: {  	[bflag:$0x0] =	sbarrier.arrive $0xFFFF  }
0x4e: {  	p0 =	sne.s32 s1, $0x0;
	_ =	strace $0x9000004D  }
0x4f: {  	s0 =	sadd.s32 @!p0 $0x100000, s0;
	[bflag:$0x2] =	sbarrier.arrive $0xFFFF  }
0x50: {  	[sflag:s0] =	ssyncadd.tile.s32 @!p0 $0x1;
	_ =	shalt  }
.Lfunc_end2:
_tile_overlayer_lowered:
.L_overlay_start_2:
0x51: {  	(tag) =	ssettag $0x2  }
0x52: {  	s0 =	rddreg [dreg:$0x0];
	s2 =	stileid.u32  }
0x53: {  	s1 =	rddreg [dreg:$0x1];
	p0 =	sne.s32 s2, $0x0  }
0x54: {  	s3 =	rddreg [dreg:$0x2];
	[bflag:$0x3] =	sbarrier.arrive $0xFFFF;
	s2 =	simm.s32 @!p0 $0x1C05  }
0x55: {  	[timem:s3], [sflag:s2] =	dma.local @!p0 [hbm:s0], s1  }
0x56: {  	s0 =	simm.s32 @!p0 $0x5  }
0x57: {  	_ =	swait.ge @!p0 [sflag:s0], s1  }
0x58: {  	s1 =	ssub.s32 @!p0 $0x0, s1;
	[sflag:s0] =	ssyncset.done @!p0 $0x0  }
0x59: {  	[sflag:s0] =	ssyncadd.s32 @!p0 s1  }
0x5a: {  	[bflag:$0x3] =	sbarrier.arrive $0xFFFF  }
0x5b: {  	_ =	shalt  }

// kernel: kernel.20.cloned.1.call-start
scs
__scs_entry_jumppad:
0x0: {  	(pc) =	sbr.rel $0x88, $3  }
0x1: {  	(tag) =	ssettag $0x0;
	lr =	simm.s32 $0x1  }
0x2: {  	[smem:$0x3F8E] =	sst lr;
	_ =	strace $0xD0000000  }
0x3: {  	_ = 	snop  }
0x4: {  	_ = 	snop  }
0x5: {  	_ = 	snop  }
0x6: {  	_ = 	snop  }
0x7: {  	_ = 	snop  }
__scs_overlays_trampoline_lowered:
0x8: {  	[smem:$0x3F9D] =	sst s0  }
0x9: {  	[smem:$0x3F9E] =	sst s1  }
0xa: {  	[smem:$0x3F9F] =	sst s2  }
0xb: {  	[smem:$0x3FA0] =	sst s3  }
0xc: {  	[smem:$0x3FA1] =	sst s4  }
0xd: {  	[smem:$0x3FA2] =	sst s5  }
0xe: {  	[smem:$0x3FA3] =	sst s6  }
0xf: {  	[smem:$0x3FA4] =	sst s7  }
0x10: {  	[smem:$0x3FA5] =	sst s8  }
0x11: {  	[smem:$0x3FA6] =	sst s9;
	s0 =	simm.s32 @!p0 $0x0  }
0x12: {  	s1 =	sld [smem:$0x3F8C];
	s0 =	simm.s32 @p0 $0x1  }
0x13: {  	[smem:$0x3FA7] =	sst s0;
	s0 =	simm.s32 @!p1 $0x0  }
0x14: {  	s2 =	sld [smem:$0x3F8B];
	s0 =	simm.s32 @p1 $0x1  }
0x15: {  	[smem:$0x3FA8] =	sst s0;
	s0 =	simm.s32 @!p2 $0x0  }
0x16: {  	s3 =	sld [smem:$0x3FDB];
	s0 =	simm.s32 @p2 $0x1  }
0x17: {  	s4 =	simm.s32 $0x1BF5;
	[smem:$0x3FAA] =	sst s0  }
0x18: {  	s0 =	sld [smem:$0x3F8D];
	_ =	swait.ge [sflag:s4], $0x0  }
0x19: {  	s7 =	sld [smem:$0x3F8E]  }
0x1a: {  	s8 =	sadd.s32 $0xFFFFE003, lr  }
0x1b: {  	s9 =	sadd.s32 $0xFFFFFEF7, lr;
	s5 =	simm.s32 $0xFFFFFFFF;
	p2 =	slt.u32 s8, $0xFFFFF086  }
0x1c: {  	p1 =	slt.u32 s9, $0xF7A;
	s5 =	simm.s32 @!p2 $0x0  }
0x1d: {  	s5 =	simm.s32 @p1 $0x1;
	p0 =	seq.s32 s7, s2  }
0x1e: {  	s7 =	smul.u32 @!p0 $0xF7A, s2;
	p2 =	seq.s32 @!p0 s5, $0x0  }
0x1f: {  	s9 =	smul.u32 $0xF7A, s1;
	s8 =	simm.s32 @!p0 $0x1BF5;
	p2 =	por !p2, p0  }
0x20: {  	[sflag:s8] =	ssyncset.s32 @!p0 $0xFFFFF086;
	s6 =	sadd.s32 @!p0 s3, s7;
	s7 =	simm.s32 @!p0 $0x108  }
0x21: {  	s3 =	sadd.s32 s3, s9;
	s6 =	sadd.s32 @!p0 $0x88, s6;
	s7 =	simm.s32 @p2 $0x1082  }
0x22: {  	[simem:s7], [sflag:s8] =	dma.local @!p0 [hbm:s6], $0xF7A  }
0x23: {  	s9 =	sor.u32 $0xD0000000, s2;
	s6 =	simm.s32 $0x108;
	_ =	swait.ge @!p0 [sflag:s8], $0x0  }
0x24: {  	s3 =	sadd.s32 $0x88, s3;
	s6 =	simm.s32 @!p1 $0x1082;
	[sflag:s4] =	ssyncset.s32 $0xFFFFF086  }
0x25: {  	[simem:s6], [sflag:s4] =	dma.local [hbm:s3], $0xF7A  }
0x26: {  	[smem:$0x3F8E] =	sst s1;
	(tag) =	ssettag s2;
	_ =	strace s9  }
0x27: {  	s1 =	sld [smem:$0x3F9E]  }
0x28: {  	s2 =	sld [smem:$0x3F9F]  }
0x29: {  	s4 =	sld [smem:$0x3FA1]  }
0x2a: {  	p0 =	seq.s32 s5, $0x0;
	s5 =	sld [smem:$0x3FA2]  }
0x2b: {  	s6 =	sld [smem:$0x3FA3]  }
0x2c: {  	s7 =	sld [smem:$0x3FA4]  }
0x2d: {  	s3 =	simm.s32 $0x108;
	s8 =	sld [smem:$0x3FA5]  }
0x2e: {  	s3 =	simm.s32 @!p0 $0x1082;
	s9 =	sld [smem:$0x3FA6]  }
0x2f: {  	lr =	sadd.s32 s0, s3;
	s0 =	sld [smem:$0x3F9D]  }
0x30: {  	s3 =	sld [smem:$0x3FA0]  }
0x31: {  	[smem:$0x3FA9] =	sst s10  }
0x32: {  	s10 =	sld [smem:$0x3FA7];
	_ =	sdelay $0x3  }
0x33: {  	p0 =	seq.s32 s10, $0x1;
	s10 =	sld [smem:$0x3FA9];
	_ =	sdelay $0x3  }
0x34: {  	[smem:$0x3FA9] =	sst s10  }
0x35: {  	s10 =	sld [smem:$0x3FA8];
	_ =	sdelay $0x3  }
0x36: {  	p1 =	seq.s32 s10, $0x1;
	s10 =	sld [smem:$0x3FA9];
	_ =	sdelay $0x3  }
0x37: {  	[smem:$0x3FA9] =	sst s10  }
0x38: {  	s10 =	sld [smem:$0x3FAA]  }
0x39: {  	_ = 	snop;
	(pc) =	sbr.ind lr, $3  }
0x3a: {  	_ = 	snop  }
0x3b: {  	_ = 	snop  }
0x3c: {  	p2 =	seq.s32 s10, $0x1;
	s10 =	sld [smem:$0x3FA9]  }
0x3d: {  	_ =	shalt  }
0x3e: {  	_ =	shalt  }
0x3f: {  	_ =	shalt  }
0x40: {  	_ =	shalt  }
0x41: {  	_ =	shalt  }
0x42: {  	_ =	shalt  }
0x43: {  	_ =	shalt  }
0x44: {  	_ =	shalt  }
0x45: {  	_ =	shalt  }
0x46: {  	_ =	shalt  }
0x47: {  	_ =	shalt  }
0x48: {  	_ =	shalt  }
0x49: {  	_ =	shalt  }
0x4a: {  	_ =	shalt  }
0x4b: {  	_ =	shalt  }
0x4c: {  	_ =	shalt  }
0x4d: {  	_ =	shalt  }
0x4e: {  	_ =	shalt  }
0x4f: {  	_ =	shalt  }
0x50: {  	_ =	shalt  }
0x51: {  	_ =	shalt  }
0x52: {  	_ =	shalt  }
0x53: {  	_ =	shalt  }
0x54: {  	_ =	shalt  }
0x55: {  	_ =	shalt  }
0x56: {  	_ =	shalt  }
0x57: {  	_ =	shalt  }
0x58: {  	_ =	shalt  }
0x59: {  	_ =	shalt  }
0x5a: {  	_ =	shalt  }
0x5b: {  	_ =	shalt  }
0x5c: {  	_ =	shalt  }
0x5d: {  	_ =	shalt  }
0x5e: {  	_ =	shalt  }
0x5f: {  	_ =	shalt  }
0x60: {  	_ =	shalt  }
0x61: {  	_ =	shalt  }
0x62: {  	_ =	shalt  }
0x63: {  	_ =	shalt  }
0x64: {  	_ =	shalt  }
0x65: {  	_ =	shalt  }
0x66: {  	_ =	shalt  }
0x67: {  	_ =	shalt  }
0x68: {  	_ =	shalt  }
0x69: {  	_ =	shalt  }
0x6a: {  	_ =	shalt  }
0x6b: {  	_ =	shalt  }
0x6c: {  	_ =	shalt  }
0x6d: {  	_ =	shalt  }
0x6e: {  	_ =	shalt  }
0x6f: {  	_ =	shalt  }
0x70: {  	_ =	shalt  }
0x71: {  	_ =	shalt  }
0x72: {  	_ =	shalt  }
0x73: {  	_ =	shalt  }
0x74: {  	_ =	shalt  }
0x75: {  	_ =	shalt  }
0x76: {  	_ =	shalt  }
0x77: {  	_ =	shalt  }
0x78: {  	_ =	shalt  }
0x79: {  	_ =	shalt  }
0x7a: {  	_ =	shalt  }
0x7b: {  	_ =	shalt  }
0x7c: {  	_ =	shalt  }
0x7d: {  	_ =	shalt  }
0x7e: {  	_ =	shalt  }
0x7f: {  	_ =	shalt  }
0x80: {  	_ =	shalt  }
0x81: {  	_ =	shalt  }
0x82: {  	_ =	shalt  }
0x83: {  	_ =	shalt  }
0x84: {  	_ =	shalt  }
0x85: {  	_ =	shalt  }
0x86: {  	_ =	shalt  }
0x87: {  	_ =	shalt  }
.Lfunc_end0:
.L_simem_size_0:
called_computation.3_lowered:
.L_overlay_start_0:
0x88: {  	s2 =	sld [smem:$0x3FD9]  }
0x89: {  	s3 =	sld [smem:$0x3FFE];
	_ =	sdelay $0x1  }
0x8a: {  	s1 =	srdreg.scid  }
0x8b: {  	s0 =	sand.u32 $0x1, s1  }
0x8c: {  	s16 =	sshll.u32 s0, $0xA;
	s2 =	sadd.s32 s3, s2  }
0x8d: {  	s2 =	sadd.s32 s2, s16  }
0x8e: {  	[smem:$0x3FB5] =	sst s2  }
0x8f: {  	_ = 	snop  }
0x90: {  	(tm) =	ssettm $0x1  }
0x91: {  	s17 =	sld [smem:$0x3FFB];
	_ =	sdelay $0x3  }
0x92: {  	_ =	strace s17  }
0x93: {  	s2 =	sld [smem:$0x3FFC];
	_ =	sdelay $0x3  }
0x94: {  	_ =	strace s2  }
0x95: {  	s2 =	sld [smem:$0x3FFD];
	_ =	sdelay $0x3  }
0x96: {  	_ =	strace s2  }
0x97: {  	_ =	strace $0x8FFFFFFF  }
0x98: {  	s18 =	sld [smem:$0x3FDB];
	_ =	sdelay $0x1  }
0x99: {  	s19 =	simm.s32 $_scs_section_size  }
0x9a: {  	s4 =	simm.s32 $_size__tile_overlayer_lowered;
	s5 =	simm.s32 $_tile_overlayer_lowered  }
0x9b: {  	s22 =	simm.s32 $0x1BFF;
	s21 =	sshll.u32 s5, $0x1;
	s2 =	sadd.s32 s19, s18  }
0x9c: {  	s6 =	simm.s32 $0x0;
	s20 =	sshll.u32 s4, $0x1;
	s4 =	sadd.s32 s21, s2  }
0x9d: {  	[timem:s6], [sflag:s22] =	dma.local [hbm:s4], s20  }
0x9e: {  	_ =	swait.ge [sflag:s22], s20  }
0x9f: {  	s3 =	ssub.s32 $0x0, s20;
	[sflag:s22] =	ssyncset.done $0x0  }
0xa0: {  	[sflag:s22] =	ssyncadd.s32 s3;
	_ =	sdelay $0x1  }
0xa1: {  	s23 =	simm.s32 $0x1B8B  }
0xa2: {  	_ =	swait.ge [sflag:s23], $0x1  }
0xa3: {  	[sflag:s23] =	ssyncset.done $0x0  }
0xa4: {  	s25 =	simm.s32 $0x1B8E;
	s24 =	sld [smem:$0x3FFE];
	[sflag:s23] =	ssyncadd.s32 $0xFFFFFFFF  }
0xa5: {  	s26 =	simm.s32 $execute0_lowered;
	[smem:$0x3FD2] =	sst s25  }
0xa6: {  	s4 =	sshll.u32 s26, $0x1;
	_ =	strace $0x8000004F;
	[dreg:$0x1] =	wrdreg $0xFFFFFFFF  }
0xa7: {  	s28 =	simm.s32 $_size_execute0_lowered;
	s2 =	sadd.s32 s2, s4;
	[dreg:$0x0] =	wrdreg $0x0  }
0xa8: {  	s4 =	sshll.u32 s28, $0x1;
	[dreg:$0x2] =	wrdreg s2  }
0xa9: {  	[dreg:$0x3] =	wrdreg s4  }
0xaa: {  	[dreg:$0x4] =	wrdreg $0xC0  }
0xab: {  	_ =	task [dreg:s6], $0x5FFFF  }
0xac: {  	[dreg:$0x1] =	wrdreg $0xFFFFFFFF  }
0xad: {  	[dreg:$0x0] =	wrdreg $0x60  }
0xae: {  	[dreg:$0x2] =	wrdreg s24  }
0xaf: {  	[dreg:$0x3] =	wrdreg $0xD0000  }
0xb0: {  	[dreg:$0x4] =	wrdreg $0x9  }
0xb1: {  	_ =	task.clear_ibuf [dreg:s6], $0x5FFFF;
	_ =	strace $0x9000004F  }
0xb2: {  	s29 =	simm.s32 $0x9;
	_ =	strace $0x80000051  }
0xb3: {  	_ =	swait.ge [sflag:s29], $0x1  }
0xb4: {  	[sflag:s29] =	ssyncadd.s32 $0xFFFFFFFF  }
0xb5: {  	_ =	strace $0x90000051  }
0xb6: {  	_ =	sfence  }
0xb7: {  	s30 =	sld [smem:$0x0];
	_ =	sdelay $0x2  }
0xb8: {  	s31 =	sshll.u32 s1, $0xD;
	s1 =	sshrl.u32 s1, $0x2  }
0xb9: {  	s3 =	sand.u32 $0x4000, s31;
	s1 =	sadd.s32 s1, s30  }
0xba: {  	s0 =	sor.u32 s3, s0;
	s1 =	sshll.u32 s1, $0x11  }
0xbb: {  	s0 =	sor.u32 s1, s0  }
0xbc: {  	s0 =	sadd.s32 $0x8F2B, s0  }
0xbd: {  	[sflag:s0] =	ssyncadd.remote.s32 $0x1  }
0xbe: {  	_ =	sfence.sel $0xFFFF  }
0xbf: {  	[dreg:$0x0] =	wrdreg $0xFFFFFFFF;
	(pc) =	sbr.abs _section_cstart, $3  }
0xc0: {  	[dreg:$0x1] =	wrdreg $0xFFFFFFFF  }
0xc1: {  	_ =	task.clear_ibuf [dreg:s6], $0x2FFFF;
	_ =	strace $0x9FFFFFFF  }
0xc2: {  	(tm) =	ssettm $0x7FFFFFFF  }
0xc3: {  	_ =	shalt  }
tec
execute0_lowered:
.L_overlay_start_1:
0x0: {  	(tag) =	ssettag $0x1  }
0x1: {  	s8 =	rddreg [dreg:$0x0]  }
0x2: {  	s0 =	srdreg.scid;
	s2 =	rddreg [dreg:$0x1]  }
0x3: {  	s1 =	stileid.u32;
	s3 =	simm.s32 $0x0;
	s15 =	simm.s32 $0x9000  }
0x4: {  	s16 =	simm.s32 $0x1;
	s17 =	simm.s32 $0x2;
	s18 =	simm.s32 $0x3  }
0x5: {  	s19 =	simm.s32 $0x4;
	s6 =	sand.u32 $0x1, s0;
	s0 =	rddreg [dreg:$0x2]  }
0x6: {  	[smem:$0x7FF] =	sst s3;
	s5 =	sadd.s32 $0x2B600, s8;
	s10 =	smul.u32 $0xA000, s1  }
0x7: {  	s13 =	sshll.u32 s1, $0x6;
	s31 =	sadd.s32 $0xD600, s8;
	s4 =	sshll.u32 s6, $0x4  }
0x8: {  	_ =	strace $0x80000050;
	s9 =	smul.u32 $0x14000, s6;
	s6 =	ssub.s32 $0x2, s6  }
0x9: {  	s4 =	sor.u32 s1, s4;
	s12 =	sshrl.u32 s6, $0x1;
	s14 =	sadd.s32 s10, s2  }
0xa: {  	s21 =	sshrl.u32 s10, $0x3;
	s10 =	simm.s32 $0x5;
	s11 =	smul.u32 $0x500, s4  }
0xb: {  	s4 =	sadd.s32 $0x17600, s8;
	s9 =	sadd.s32 s9, s8;
	s12 =	ssub.s32 s6, s12  }
0xc: {  	s6 =	sor.u32 $0x1C05, s13;
	s13 =	simm.s32 $0x100;
	s20 =	sadd.s32 $0x2CA00, s9  }
0xd: {  	s9 =	sshrl.u32 s14, $0x3;
	s14 =	simm.s32 $0x5000;
	s7 =	sadd.s32 s11, s8  }
0xe: {  	s8 =	smax.u32 s12, $0x1;
	s11 =	sadd.s32 s11, s31;
	s12 =	simm.s32 $0x2800  }
0xf: {  	s20 =	sadd.s32 s21, s20;
	s21 =	simm.s32 $0x0;
	s7 =	sadd.s32 $0x3600, s7  }
.LBB2_1:
0x10: {  	[spmem:s9], [sflag:s6] =	dma.local [hbm:s5], $0x1400  }
0x11: {  	_ =	swait.ge [sflag:s10], $0x1400  }
0x12: {  	[sflag:s10] =	ssyncset.done $0x0  }
0x13: {  	[sflag:s10] =	ssyncadd.s32 $0xFFFFEC00  }
0x14: {  	[tilespmem:s3], [sflag:$0x5] =	stream.linear.gather [hbm4b:s7+s3], $0x2800, $0x38;
	[tilespmem:$0x17000] =	vst v63  }
0x15: {  	_ =	swait.ge [sflag:s10], $0x2800  }
0x16: {  	[sflag:s10] =	ssyncset.done $0x0  }
0x17: {  	[sflag:s10] =	ssyncadd.s32 $0xFFFFD800  }
0x18: {  	[tilespmem:s12], [sflag:$0x5] =	stream.linear.gather [hbm4b:s11+s3], $0x2800, $0x38;
	[tilespmem:$0x17000] =	vst v63  }
0x19: {  	_ =	swait.ge [sflag:s10], $0x2800  }
0x1a: {  	[sflag:s10] =	ssyncset.done $0x0  }
0x1b: {  	[sflag:s10] =	ssyncadd.s32 $0xFFFFD800  }
0x1c: {  	[bflag:$0x0] =	sbarrier.arrive $0xFFFF  }
0x1d: {  	[tilespmem:s14], [sflag:$0x1] =	stream.indirect.gather [hbm4b:s4+s13], $0x40, s3, s13, $0xb8;
	[tilespmem:$0x17000] =	vst v63  }
0x1e: {  	_ = 	snop  }
0x1f: {  	[tilespmem:s15], [sflag:$0x2] =	stream.indirect.gather [hbm4b:s4+s13], $0x40, s13, s13, $0xb8;
	[tilespmem:$0x17000] =	vst v63  }
0x20: {  	_ =	swait.ge [sflag:s16], $0x4000  }
0x21: {  	[sflag:s16] =	ssyncset.done $0x0  }
0x22: {  	s22 =	simm.s32 $0x2800;
	[sflag:s16] =	ssyncadd.s32 $0xFFFFC000  }
0x23: {  	[spmem:s2] =	stream.indirect.scatter.add.f32 [tilespmem:s14], [sflag:$0x3], $0x40, s22, s13, $0xb8;
	[tilespmem:$0x17000] =	vst v63  }
0x24: {  	_ =	swait.ge [sflag:s17], $0x4000  }
0x25: {  	[sflag:s17] =	ssyncset.done $0x0  }
0x26: {  	s30 =	simm.s32 $0x2900;
	[sflag:s17] =	ssyncadd.s32 $0xFFFFC000  }
0x27: {  	[spmem:s2] =	stream.indirect.scatter.add.f32 [tilespmem:s15], [sflag:$0x4], $0x40, s30, s13, $0xb8;
	[tilespmem:$0x17000] =	vst v63  }
0x28: {  	s31 =	smin.u32 s3, $0x24;
	_ =	swait.ge [sflag:s18], $0x4000  }
0x29: {  	s23 =	sshll.u32 s31, $0x8;
	[sflag:s18] =	ssyncset.done $0x0  }
0x2a: {  	s22 =	sadd.s32 $0x200, s23;
	[sflag:s18] =	ssyncadd.s32 $0xFFFFC000  }
0x2b: {  	[tilespmem:s14], [sflag:$0x1] =	stream.indirect.gather [hbm4b:s4+s13], $0x40, s22, s13, $0xb8;
	[tilespmem:$0x17000] =	vst v63  }
0x2c: {  	_ =	swait.ge [sflag:s19], $0x4000  }
0x2d: {  	s24 =	sadd.s32 $0x300, s23;
	[sflag:s19] =	ssyncset.done $0x0  }
0x2e: {  	s23 =	simm.s32 $0x2B00;
	s22 =	simm.s32 $0x2;
	[sflag:s19] =	ssyncadd.s32 $0xFFFFC000  }
.LBB2_2:
0x2f: {  	[tilespmem:s15], [sflag:$0x2] =	stream.indirect.gather [hbm4b:s4+s13], $0x40, s24, s13, $0xb8;
	[tilespmem:$0x17000] =	vst v63  }
0x30: {  	s24 =	smov.u32 s22  }
0x31: {  	p0 =	sne.s32 s22, $0x26;
	s22 =	sadd.s32 $0x2, s22;
	_ =	swait.ge [sflag:s16], $0x4000  }
0x32: {  	[sflag:s16] =	ssyncset.done $0x0  }
0x33: {  	s25 =	sadd.s32 $0xFFFFFF00, s23;
	[sflag:s16] =	ssyncadd.s32 $0xFFFFC000  }
0x34: {  	[spmem:s2] =	stream.indirect.scatter.add.f32 [tilespmem:s14], [sflag:$0x3], $0x40, s25, s13, $0xb8;
	[tilespmem:$0x17000] =	vst v63  }
0x35: {  	_ =	swait.ge [sflag:s17], $0x4000  }
0x36: {  	[sflag:s17] =	ssyncset.done $0x0  }
0x37: {  	[sflag:s17] =	ssyncadd.s32 $0xFFFFC000  }
0x38: {  	[spmem:s2] =	stream.indirect.scatter.add.f32 [tilespmem:s15], [sflag:$0x4], $0x40, s23, s13, $0xb8;
	[tilespmem:$0x17000] =	vst v63  }
0x39: {  	s24 =	smin.u32 s24, $0x24;
	_ =	swait.ge [sflag:s18], $0x4000  }
0x3a: {  	s24 =	sshll.u32 s24, $0x8;
	[sflag:s18] =	ssyncset.done $0x0  }
.Ltmp0:
0x3b: {  	s25 =	sadd.s32 $0x200, s24;
	[sflag:s18] =	ssyncadd.s32 $0xFFFFC000;
	(pc) =	sbr.rel @p0 .LBB2_2-.Ltmp0, $4  }
0x3c: {  	[tilespmem:s14], [sflag:$0x1] =	stream.indirect.gather [hbm4b:s4+s13], $0x40, s25, s13, $0xb8;
	[tilespmem:$0x17000] =	vst v63  }
0x3d: {  	_ =	swait.ge [sflag:s19], $0x4000  }
0x3e: {  	[sflag:s19] =	ssyncset.done $0x0  }
0x3f: {  	s24 =	sadd.s32 $0x300, s24;
	s23 =	sadd.s32 $0x200, s23;
	[sflag:s19] =	ssyncadd.s32 $0xFFFFC000  }
0x40: {  	[tilespmem:s15], [sflag:$0x2] =	stream.indirect.gather [hbm4b:s4+s13], $0x40, s24, s13, $0xb8;
	[tilespmem:$0x17000] =	vst v63  }
0x41: {  	_ =	swait.ge [sflag:s16], $0x4000  }
0x42: {  	[sflag:s16] =	ssyncset.done $0x0  }
0x43: {  	[sflag:s16] =	ssyncadd.s32 $0xFFFFC000  }
0x44: {  	_ =	swait.ge [sflag:s17], $0x4000  }
0x45: {  	s21 =	sadd.s32 $0x1, s21;
	[sflag:s17] =	ssyncset.done $0x0  }
0x46: {  	p0 =	sne.s32 s21, s8;
	[sflag:s17] =	ssyncadd.s32 $0xFFFFC000  }
.Ltmp1:
0x47: {  	[bflag:$0x0] =	sbarrier.arrive $0xFFFF;
	(pc) =	sbr.rel @p0 .LBB2_1-.Ltmp1, $4  }
0x48: {  	[hbm:s20], [sflag:s6] =	dma.local [spmem:s9], $0x1400  }
0x49: {  	_ =	swait.ge [sflag:s10], $0x1400  }
0x4a: {  	[sflag:s10] =	ssyncset.done $0x0  }
0x4b: {  	[sflag:s10] =	ssyncadd.s32 $0xFFFFEC00  }
0x4c: {  	_ =	sfence.sel $0x180000  }
0x4d: {  	[bflag:$0x0] =	sbarrier.arrive $0xFFFF  }
0x4e: {  	p0 =	sne.s32 s1, $0x0;
	_ =	strace $0x90000050  }
0x4f: {  	s0 =	sadd.s32 @!p0 $0x100000, s0;
	[bflag:$0x2] =	sbarrier.arrive $0xFFFF  }
0x50: {  	[sflag:s0] =	ssyncadd.tile.s32 @!p0 $0x1;
	_ =	shalt  }
.Lfunc_end2:
_tile_overlayer_lowered:
.L_overlay_start_2:
0x51: {  	(tag) =	ssettag $0x2  }
0x52: {  	s0 =	rddreg [dreg:$0x0];
	s2 =	stileid.u32  }
0x53: {  	s1 =	rddreg [dreg:$0x1];
	p0 =	sne.s32 s2, $0x0  }
0x54: {  	s3 =	rddreg [dreg:$0x2];
	[bflag:$0x3] =	sbarrier.arrive $0xFFFF;
	s2 =	simm.s32 @!p0 $0x1C05  }
0x55: {  	[timem:s3], [sflag:s2] =	dma.local @!p0 [hbm:s0], s1  }
0x56: {  	s0 =	simm.s32 @!p0 $0x5  }
0x57: {  	_ =	swait.ge @!p0 [sflag:s0], s1  }
0x58: {  	s1 =	ssub.s32 @!p0 $0x0, s1;
	[sflag:s0] =	ssyncset.done @!p0 $0x0  }
0x59: {  	[sflag:s0] =	ssyncadd.s32 @!p0 s1  }
0x5a: {  	[bflag:$0x3] =	sbarrier.arrive $0xFFFF  }
0x5b: {  	_ =	shalt  }

</sc_bundles>
